<compile_context>
chip_gen: v7x
topology: tpu7x:2x2x1
jax: 0.10.2.dev20260603
libtpu: 0.0.44.dev20260713+nightly
codegen_flags: <defaults>
</compile_context>

<pallas_src>
import functools

import jax
import jax.numpy as jnp
from jax import lax
from jax.experimental import pallas as pl
from jax.experimental.pallas import tpu as pltpu
from jax.experimental.pallas import tpu_sc as plsc

_NUM_CORES = 2
_NUM_SUBCORES = 16
_NUM_WORKERS = _NUM_CORES * _NUM_SUBCORES


@functools.lru_cache(maxsize=None)
def _make_bcast_copy(batch: int, seq: int, h_dim: int, sizes: tuple, nbuf: int):
    rows_per_w = seq // _NUM_WORKERS
    assert seq % _NUM_WORKERS == 0 and sum(sizes) == rows_per_w
    n_chunks = len(sizes)
    assert n_chunks >= nbuf >= 2
    bufrows = [
        max(sizes[c] for c in range(n_chunks) if c % nbuf == i) for i in range(nbuf)
    ]
    offs = [sum(sizes[:i]) for i in range(n_chunks)]
    assert sum(bufrows) * h_dim <= 131071

    mesh = plsc.VectorSubcoreMesh(core_axis_name="c", subcore_axis_name="s")

    @functools.partial(
        pl.kernel,
        mesh=mesh,
        out_type=jax.ShapeDtypeStruct((batch, seq, h_dim), jnp.float32),
        scratch_types=[
            [pltpu.VMEM((bufrows[i], h_dim), jnp.float32) for i in range(nbuf)],
            [pltpu.SemaphoreType.DMA for _ in range(nbuf)],
            [pltpu.SemaphoreType.DMA for _ in range(nbuf)],
        ],
    )
    def bcast_copy(table, out, bufs, rsems, wsems):
        wid = lax.axis_index("s") * _NUM_CORES + lax.axis_index("c")
        base = wid * rows_per_w

        def src(c):
            buf = bufs[c % nbuf]
            if sizes[c] == bufrows[c % nbuf]:
                return buf
            return buf.at[pl.ds(0, sizes[c])]

        def read(c):
            return pltpu.make_async_copy(
                table.at[pl.ds(base + offs[c], sizes[c])],
                src(c),
                rsems[c % nbuf],
            )

        reads = [read(c) for c in range(n_chunks)]
        writes = [None] * n_chunks
        reads[0].start()
        for c in range(n_chunks):
            reads[c].wait()
            wr = [
                pltpu.make_async_copy(
                    src(c),
                    out.at[b, pl.ds(base + offs[c], sizes[c])],
                    wsems[c % nbuf],
                )
                for b in range(batch)
            ]
            for w in wr:
                w.start()
            writes[c] = wr
            if c + 1 < n_chunks:
                j = c + 1 - nbuf
                if j >= 0:
                    for w in writes[j]:
                        w.wait()
                reads[c + 1].start()
        for j in range(max(0, n_chunks - nbuf), n_chunks):
            for w in writes[j]:
                w.wait()

    return bcast_copy


def kernel(x, pos_embedding):
    batch, seq = x.shape
    _, h_dim = pos_embedding.shape
    table = pos_embedding[:seq] if pos_embedding.shape[0] != seq else pos_embedding
    return _make_bcast_copy(batch, seq, h_dim, (32, 56, 56, 56, 56), 2)(table)

# --- scband reference (transcript-rebuilt; emitter-appended) ---
"""Pipeline reference for scband-positional-encoding-31920196944124 (READ-ONLY COPY).

The authoritative reference and input builder live on the scoring server;
editing this copy changes nothing except your own understanding.
"""

import jax, jax.numpy as jnp
import numpy as np

MAX_LENGTH = 8192
H_DIM = 1024
BATCH = 4
SEQ_LEN = 8192


def setup_inputs(seed: int = 0) -> dict:
    key = jax.random.key(seed)
    k1, k2 = jax.random.split(key)
    x = jax.random.randint(k1, (BATCH, SEQ_LEN), 0, MAX_LENGTH, dtype=jnp.int64 if jax.config.jax_enable_x64 else jnp.int32)
    pos_embedding = jax.random.normal(k2, (MAX_LENGTH, H_DIM), dtype=jnp.float32) * 0.02
    return {"x": x, "pos_embedding": pos_embedding}


def reference(x, pos_embedding):
    # seq_length = x.size(1)
    seq_length = x.shape[1]
    # positions = arange(seq_length).unsqueeze(0).expand_as(x)
    positions = jnp.broadcast_to(jnp.arange(seq_length)[None, :], x.shape)
    # embedding lookup: table[positions] -> [B, L, h_dim]
    return jnp.take(pos_embedding, positions, axis=0)

if __name__ == "__main__":
    import jax
    _d = setup_inputs()
    print(jax.jit(kernel)(*tuple(_d.values())))

</pallas_src>

<mosaic_0001>
#map = affine_map<(d0, d1) -> (0, 0)>
#map1 = affine_map<(d0, d1) -> (0, 0, 0)>
module attributes {stable_mosaic.version = 14 : i64} {
  func.func @bcast_copy(%arg0: i32, %arg1: i32, %arg2: memref<8192x1024xf32, #tpu.memory_space<hbm>>, %arg3: memref<4x8192x1024xf32, #tpu.memory_space<hbm>>, %arg4: memref<56x1024xf32, #tpu.memory_space<vmem>>, %arg5: memref<56x1024xf32, #tpu.memory_space<vmem>>, %arg6: memref<!tpu.dma_semaphore, #tpu.memory_space<semaphore_mem>>, %arg7: memref<!tpu.dma_semaphore, #tpu.memory_space<semaphore_mem>>, %arg8: memref<!tpu.dma_semaphore, #tpu.memory_space<semaphore_mem>>, %arg9: memref<!tpu.dma_semaphore, #tpu.memory_space<semaphore_mem>>) attributes {dimension_semantics = [#tpu.dimension_semantics<core_parallel>, #tpu.dimension_semantics<subcore_parallel>], iteration_bounds = array<i64: 2, 16>, scalar_prefetch = 0 : i64, scratch_operands = 6 : i64, tpu.core_type = #tpu.core_type<sc_vector_subcore>, window_params = [{transform_indices = #map}, {transform_indices = #map1}]} {
    %mul3A = arith.constant 2 : i32
    %mul3A_0 = arith.muli %arg1, %mul3A : i32
    %add3A = arith.addi %mul3A_0, %arg0 : i32
    %mul3A_1 = arith.constant 256 : i32
    %mul3A_2 = arith.muli %add3A, %mul3A_1 : i32
    %add3A_3 = arith.constant 0 : i32
    %add3A_4 = arith.addi %mul3A_2, %add3A_3 : i32
    %add3A_5 = arith.constant 32 : i32
    %add3A_6 = arith.addi %mul3A_2, %add3A_5 : i32
    %add3A_7 = arith.constant 88 : i32
    %add3A_8 = arith.addi %mul3A_2, %add3A_7 : i32
    %add3A_9 = arith.constant 144 : i32
    %add3A_10 = arith.addi %mul3A_2, %add3A_9 : i32
    %add3A_11 = arith.constant 200 : i32
    %add3A_12 = arith.addi %mul3A_2, %add3A_11 : i32
    %dma_start3A = arith.constant 0 : i32
    %dma_start3A_13 = arith.constant 0 : i32
    %dma_start3A_14 = tpu.memref_slice %arg4[%dma_start3A, %dma_start3A_13] : memref<56x1024xf32, #tpu.memory_space<vmem>> -> memref<32x1024xf32, #tpu.memory_space<vmem>>
    %dma_start3A_15 = arith.constant 0 : i32
    %dma_start3A_16 = tpu.memref_slice %arg2[%add3A_4, %dma_start3A_15] : memref<8192x1024xf32, #tpu.memory_space<hbm>> -> memref<32x1024xf32, #tpu.memory_space<hbm>>
    %dma_start3A_17 = arith.constant 0 : i32
    %dma_start3A_18 = arith.constant 0 : i32
    %dma_start3A_19 = tpu.memref_slice %arg4[%dma_start3A_17, %dma_start3A_18] : memref<56x1024xf32, #tpu.memory_space<vmem>> -> memref<32x1024xf32, #tpu.memory_space<vmem>>
    %dma_start3A_20 = arith.constant 0 : i32
    %dma_start3A_21 = tpu.memref_slice %arg2[%add3A_4, %dma_start3A_20] : memref<8192x1024xf32, #tpu.memory_space<hbm>> -> memref<32x1024xf32, #tpu.memory_space<hbm>>
    tpu.enqueue_dma source(%dma_start3A_21 : memref<32x1024xf32, #tpu.memory_space<hbm>>) target(%dma_start3A_19 : memref<32x1024xf32, #tpu.memory_space<vmem>>) target_semaphore(%arg6 : memref<!tpu.dma_semaphore, #tpu.memory_space<semaphore_mem>>)
    %dma_wait3A = arith.constant 0 : i32
    %dma_wait3A_22 = arith.constant 0 : i32
    %dma_wait3A_23 = tpu.memref_slice %arg4[%dma_wait3A, %dma_wait3A_22] : memref<56x1024xf32, #tpu.memory_space<vmem>> -> memref<32x1024xf32, #tpu.memory_space<vmem>>
    %dma_wait3A_24 = arith.constant 0 : i32
    %dma_wait3A_25 = tpu.memref_slice %arg2[%add3A_4, %dma_wait3A_24] : memref<8192x1024xf32, #tpu.memory_space<hbm>> -> memref<32x1024xf32, #tpu.memory_space<hbm>>
    %dma_wait3A_26 = arith.constant 0 : i32
    %dma_wait3A_27 = arith.constant 0 : i32
    %dma_wait3A_28 = tpu.memref_slice %arg4[%dma_wait3A_26, %dma_wait3A_27] : memref<56x1024xf32, #tpu.memory_space<vmem>> -> memref<32x1024xf32, #tpu.memory_space<vmem>>
    %dma_wait3A_29 = arith.constant 0 : i32
    %dma_wait3A_30 = tpu.memref_slice %arg2[%add3A_4, %dma_wait3A_29] : memref<8192x1024xf32, #tpu.memory_space<hbm>> -> memref<32x1024xf32, #tpu.memory_space<hbm>>
    tpu.wait_dma2 semaphore(%arg6 : memref<!tpu.dma_semaphore, #tpu.memory_space<semaphore_mem>>) src(%dma_wait3A_30 : memref<32x1024xf32, #tpu.memory_space<hbm>>) dst(%dma_wait3A_28 : memref<32x1024xf32, #tpu.memory_space<vmem>>)
    %add3A_31 = arith.constant 0 : i32
    %add3A_32 = arith.addi %mul3A_2, %add3A_31 : i32
    %add3A_33 = arith.constant 0 : i32
    %add3A_34 = arith.addi %mul3A_2, %add3A_33 : i32
    %add3A_35 = arith.constant 0 : i32
    %add3A_36 = arith.addi %mul3A_2, %add3A_35 : i32
    %add3A_37 = arith.constant 0 : i32
    %add3A_38 = arith.addi %mul3A_2, %add3A_37 : i32
    %dma_start3A_39 = arith.constant 0 : i32
    %dma_start3A_40 = arith.constant 0 : i32
    %dma_start3A_41 = arith.constant 0 : i32
    %dma_start3A_42 = tpu.memref_slice %arg4[%dma_start3A_40, %dma_start3A_41] : memref<56x1024xf32, #tpu.memory_space<vmem>> -> memref<32x1024xf32, #tpu.memory_space<vmem>>
    %dma_start3A_43 = arith.constant 0 : i32
    %dma_start3A_44 = tpu.memref_slice %arg3[%dma_start3A_39, %add3A_32, %dma_start3A_43] : memref<4x8192x1024xf32, #tpu.memory_space<hbm>> -> memref<1x32x1024xf32, #tpu.memory_space<hbm>>
    %dma_start3A_45 = tpu.memref_squeeze %dma_start3A_44 : memref<1x32x1024xf32, #tpu.memory_space<hbm>> -> memref<32x1024xf32, #tpu.memory_space<hbm>>
    %dma_start3A_46 = arith.constant 0 : i32
    %dma_start3A_47 = tpu.memref_slice %arg3[%dma_start3A_39, %add3A_32, %dma_start3A_46] : memref<4x8192x1024xf32, #tpu.memory_space<hbm>> -> memref<1x32x1024xf32, #tpu.memory_space<hbm>>
    %dma_start3A_48 = tpu.memref_squeeze %dma_start3A_47 : memref<1x32x1024xf32, #tpu.memory_space<hbm>> -> memref<32x1024xf32, #tpu.memory_space<hbm>>
    %dma_start3A_49 = arith.constant 0 : i32
    %dma_start3A_50 = arith.constant 0 : i32
    %dma_start3A_51 = tpu.memref_slice %arg4[%dma_start3A_49, %dma_start3A_50] : memref<56x1024xf32, #tpu.memory_space<vmem>> -> memref<32x1024xf32, #tpu.memory_space<vmem>>
    tpu.enqueue_dma source(%dma_start3A_51 : memref<32x1024xf32, #tpu.memory_space<vmem>>) target(%dma_start3A_48 : memref<32x1024xf32, #tpu.memory_space<hbm>>) target_semaphore(%arg8 : memref<!tpu.dma_semaphore, #tpu.memory_space<semaphore_mem>>)
    %dma_start3A_52 = arith.constant 1 : i32
    %dma_start3A_53 = arith.constant 0 : i32
    %dma_start3A_54 = arith.constant 0 : i32
    %dma_start3A_55 = tpu.memref_slice %arg4[%dma_start3A_53, %dma_start3A_54] : memref<56x1024xf32, #tpu.memory_space<vmem>> -> memref<32x1024xf32, #tpu.memory_space<vmem>>
    %dma_start3A_56 = arith.constant 0 : i32
    %dma_start3A_57 = tpu.memref_slice %arg3[%dma_start3A_52, %add3A_34, %dma_start3A_56] : memref<4x8192x1024xf32, #tpu.memory_space<hbm>> -> memref<1x32x1024xf32, #tpu.memory_space<hbm>>
    %dma_start3A_58 = tpu.memref_squeeze %dma_start3A_57 : memref<1x32x1024xf32, #tpu.memory_space<hbm>> -> memref<32x1024xf32, #tpu.memory_space<hbm>>
    %dma_start3A_59 = arith.constant 0 : i32
    %dma_start3A_60 = tpu.memref_slice %arg3[%dma_start3A_52, %add3A_34, %dma_start3A_59] : memref<4x8192x1024xf32, #tpu.memory_space<hbm>> -> memref<1x32x1024xf32, #tpu.memory_space<hbm>>
    %dma_start3A_61 = tpu.memref_squeeze %dma_start3A_60 : memref<1x32x1024xf32, #tpu.memory_space<hbm>> -> memref<32x1024xf32, #tpu.memory_space<hbm>>
    %dma_start3A_62 = arith.constant 0 : i32
    %dma_start3A_63 = arith.constant 0 : i32
    %dma_start3A_64 = tpu.memref_slice %arg4[%dma_start3A_62, %dma_start3A_63] : memref<56x1024xf32, #tpu.memory_space<vmem>> -> memref<32x1024xf32, #tpu.memory_space<vmem>>
    tpu.enqueue_dma source(%dma_start3A_64 : memref<32x1024xf32, #tpu.memory_space<vmem>>) target(%dma_start3A_61 : memref<32x1024xf32, #tpu.memory_space<hbm>>) target_semaphore(%arg8 : memref<!tpu.dma_semaphore, #tpu.memory_space<semaphore_mem>>)
    %dma_start3A_65 = arith.constant 2 : i32
    %dma_start3A_66 = arith.constant 0 : i32
    %dma_start3A_67 = arith.constant 0 : i32
    %dma_start3A_68 = tpu.memref_slice %arg4[%dma_start3A_66, %dma_start3A_67] : memref<56x1024xf32, #tpu.memory_space<vmem>> -> memref<32x1024xf32, #tpu.memory_space<vmem>>
    %dma_start3A_69 = arith.constant 0 : i32
    %dma_start3A_70 = tpu.memref_slice %arg3[%dma_start3A_65, %add3A_36, %dma_start3A_69] : memref<4x8192x1024xf32, #tpu.memory_space<hbm>> -> memref<1x32x1024xf32, #tpu.memory_space<hbm>>
    %dma_start3A_71 = tpu.memref_squeeze %dma_start3A_70 : memref<1x32x1024xf32, #tpu.memory_space<hbm>> -> memref<32x1024xf32, #tpu.memory_space<hbm>>
    %dma_start3A_72 = arith.constant 0 : i32
    %dma_start3A_73 = tpu.memref_slice %arg3[%dma_start3A_65, %add3A_36, %dma_start3A_72] : memref<4x8192x1024xf32, #tpu.memory_space<hbm>> -> memref<1x32x1024xf32, #tpu.memory_space<hbm>>
    %dma_start3A_74 = tpu.memref_squeeze %dma_start3A_73 : memref<1x32x1024xf32, #tpu.memory_space<hbm>> -> memref<32x1024xf32, #tpu.memory_space<hbm>>
    %dma_start3A_75 = arith.constant 0 : i32
    %dma_start3A_76 = arith.constant 0 : i32
    %dma_start3A_77 = tpu.memref_slice %arg4[%dma_start3A_75, %dma_start3A_76] : memref<56x1024xf32, #tpu.memory_space<vmem>> -> memref<32x1024xf32, #tpu.memory_space<vmem>>
    tpu.enqueue_dma source(%dma_start3A_77 : memref<32x1024xf32, #tpu.memory_space<vmem>>) target(%dma_start3A_74 : memref<32x1024xf32, #tpu.memory_space<hbm>>) target_semaphore(%arg8 : memref<!tpu.dma_semaphore, #tpu.memory_space<semaphore_mem>>)
    %dma_start3A_78 = arith.constant 3 : i32
    %dma_start3A_79 = arith.constant 0 : i32
    %dma_start3A_80 = arith.constant 0 : i32
    %dma_start3A_81 = tpu.memref_slice %arg4[%dma_start3A_79, %dma_start3A_80] : memref<56x1024xf32, #tpu.memory_space<vmem>> -> memref<32x1024xf32, #tpu.memory_space<vmem>>
    %dma_start3A_82 = arith.constant 0 : i32
    %dma_start3A_83 = tpu.memref_slice %arg3[%dma_start3A_78, %add3A_38, %dma_start3A_82] : memref<4x8192x1024xf32, #tpu.memory_space<hbm>> -> memref<1x32x1024xf32, #tpu.memory_space<hbm>>
    %dma_start3A_84 = tpu.memref_squeeze %dma_start3A_83 : memref<1x32x1024xf32, #tpu.memory_space<hbm>> -> memref<32x1024xf32, #tpu.memory_space<hbm>>
    %dma_start3A_85 = arith.constant 0 : i32
    %dma_start3A_86 = tpu.memref_slice %arg3[%dma_start3A_78, %add3A_38, %dma_start3A_85] : memref<4x8192x1024xf32, #tpu.memory_space<hbm>> -> memref<1x32x1024xf32, #tpu.memory_space<hbm>>
    %dma_start3A_87 = tpu.memref_squeeze %dma_start3A_86 : memref<1x32x1024xf32, #tpu.memory_space<hbm>> -> memref<32x1024xf32, #tpu.memory_space<hbm>>
    %dma_start3A_88 = arith.constant 0 : i32
    %dma_start3A_89 = arith.constant 0 : i32
    %dma_start3A_90 = tpu.memref_slice %arg4[%dma_start3A_88, %dma_start3A_89] : memref<56x1024xf32, #tpu.memory_space<vmem>> -> memref<32x1024xf32, #tpu.memory_space<vmem>>
    tpu.enqueue_dma source(%dma_start3A_90 : memref<32x1024xf32, #tpu.memory_space<vmem>>) target(%dma_start3A_87 : memref<32x1024xf32, #tpu.memory_space<hbm>>) target_semaphore(%arg8 : memref<!tpu.dma_semaphore, #tpu.memory_space<semaphore_mem>>)
    %dma_start3A_91 = arith.constant 0 : i32
    %dma_start3A_92 = tpu.memref_slice %arg2[%add3A_6, %dma_start3A_91] : memref<8192x1024xf32, #tpu.memory_space<hbm>> -> memref<56x1024xf32, #tpu.memory_space<hbm>>
    %dma_start3A_93 = arith.constant 0 : i32
    %dma_start3A_94 = tpu.memref_slice %arg2[%add3A_6, %dma_start3A_93] : memref<8192x1024xf32, #tpu.memory_space<hbm>> -> memref<56x1024xf32, #tpu.memory_space<hbm>>
    tpu.enqueue_dma source(%dma_start3A_94 : memref<56x1024xf32, #tpu.memory_space<hbm>>) target(%arg5 : memref<56x1024xf32, #tpu.memory_space<vmem>>) target_semaphore(%arg7 : memref<!tpu.dma_semaphore, #tpu.memory_space<semaphore_mem>>)
    %dma_wait3A_95 = arith.constant 0 : i32
    %dma_wait3A_96 = tpu.memref_slice %arg2[%add3A_6, %dma_wait3A_95] : memref<8192x1024xf32, #tpu.memory_space<hbm>> -> memref<56x1024xf32, #tpu.memory_space<hbm>>
    %dma_wait3A_97 = arith.constant 0 : i32
    %dma_wait3A_98 = tpu.memref_slice %arg2[%add3A_6, %dma_wait3A_97] : memref<8192x1024xf32, #tpu.memory_space<hbm>> -> memref<56x1024xf32, #tpu.memory_space<hbm>>
    tpu.wait_dma2 semaphore(%arg7 : memref<!tpu.dma_semaphore, #tpu.memory_space<semaphore_mem>>) src(%dma_wait3A_98 : memref<56x1024xf32, #tpu.memory_space<hbm>>) dst(%arg5 : memref<56x1024xf32, #tpu.memory_space<vmem>>)
    %add3A_99 = arith.constant 32 : i32
    %add3A_100 = arith.addi %mul3A_2, %add3A_99 : i32
    %add3A_101 = arith.constant 32 : i32
    %add3A_102 = arith.addi %mul3A_2, %add3A_101 : i32
    %add3A_103 = arith.constant 32 : i32
    %add3A_104 = arith.addi %mul3A_2, %add3A_103 : i32
    %add3A_105 = arith.constant 32 : i32
    %add3A_106 = arith.addi %mul3A_2, %add3A_105 : i32
    %dma_start3A_107 = arith.constant 0 : i32
    %dma_start3A_108 = arith.constant 0 : i32
    %dma_start3A_109 = tpu.memref_slice %arg3[%dma_start3A_107, %add3A_100, %dma_start3A_108] : memref<4x8192x1024xf32, #tpu.memory_space<hbm>> -> memref<1x56x1024xf32, #tpu.memory_space<hbm>>
    %dma_start3A_110 = tpu.memref_squeeze %dma_start3A_109 : memref<1x56x1024xf32, #tpu.memory_space<hbm>> -> memref<56x1024xf32, #tpu.memory_space<hbm>>
    %dma_start3A_111 = arith.constant 0 : i32
    %dma_start3A_112 = tpu.memref_slice %arg3[%dma_start3A_107, %add3A_100, %dma_start3A_111] : memref<4x8192x1024xf32, #tpu.memory_space<hbm>> -> memref<1x56x1024xf32, #tpu.memory_space<hbm>>
    %dma_start3A_113 = tpu.memref_squeeze %dma_start3A_112 : memref<1x56x1024xf32, #tpu.memory_space<hbm>> -> memref<56x1024xf32, #tpu.memory_space<hbm>>
    tpu.enqueue_dma source(%arg5 : memref<56x1024xf32, #tpu.memory_space<vmem>>) target(%dma_start3A_113 : memref<56x1024xf32, #tpu.memory_space<hbm>>) target_semaphore(%arg9 : memref<!tpu.dma_semaphore, #tpu.memory_space<semaphore_mem>>)
    %dma_start3A_114 = arith.constant 1 : i32
    %dma_start3A_115 = arith.constant 0 : i32
    %dma_start3A_116 = tpu.memref_slice %arg3[%dma_start3A_114, %add3A_102, %dma_start3A_115] : memref<4x8192x1024xf32, #tpu.memory_space<hbm>> -> memref<1x56x1024xf32, #tpu.memory_space<hbm>>
    %dma_start3A_117 = tpu.memref_squeeze %dma_start3A_116 : memref<1x56x1024xf32, #tpu.memory_space<hbm>> -> memref<56x1024xf32, #tpu.memory_space<hbm>>
    %dma_start3A_118 = arith.constant 0 : i32
    %dma_start3A_119 = tpu.memref_slice %arg3[%dma_start3A_114, %add3A_102, %dma_start3A_118] : memref<4x8192x1024xf32, #tpu.memory_space<hbm>> -> memref<1x56x1024xf32, #tpu.memory_space<hbm>>
    %dma_start3A_120 = tpu.memref_squeeze %dma_start3A_119 : memref<1x56x1024xf32, #tpu.memory_space<hbm>> -> memref<56x1024xf32, #tpu.memory_space<hbm>>
    tpu.enqueue_dma source(%arg5 : memref<56x1024xf32, #tpu.memory_space<vmem>>) target(%dma_start3A_120 : memref<56x1024xf32, #tpu.memory_space<hbm>>) target_semaphore(%arg9 : memref<!tpu.dma_semaphore, #tpu.memory_space<semaphore_mem>>)
    %dma_start3A_121 = arith.constant 2 : i32
    %dma_start3A_122 = arith.constant 0 : i32
    %dma_start3A_123 = tpu.memref_slice %arg3[%dma_start3A_121, %add3A_104, %dma_start3A_122] : memref<4x8192x1024xf32, #tpu.memory_space<hbm>> -> memref<1x56x1024xf32, #tpu.memory_space<hbm>>
    %dma_start3A_124 = tpu.memref_squeeze %dma_start3A_123 : memref<1x56x1024xf32, #tpu.memory_space<hbm>> -> memref<56x1024xf32, #tpu.memory_space<hbm>>
    %dma_start3A_125 = arith.constant 0 : i32
    %dma_start3A_126 = tpu.memref_slice %arg3[%dma_start3A_121, %add3A_104, %dma_start3A_125] : memref<4x8192x1024xf32, #tpu.memory_space<hbm>> -> memref<1x56x1024xf32, #tpu.memory_space<hbm>>
    %dma_start3A_127 = tpu.memref_squeeze %dma_start3A_126 : memref<1x56x1024xf32, #tpu.memory_space<hbm>> -> memref<56x1024xf32, #tpu.memory_space<hbm>>
    tpu.enqueue_dma source(%arg5 : memref<56x1024xf32, #tpu.memory_space<vmem>>) target(%dma_start3A_127 : memref<56x1024xf32, #tpu.memory_space<hbm>>) target_semaphore(%arg9 : memref<!tpu.dma_semaphore, #tpu.memory_space<semaphore_mem>>)
    %dma_start3A_128 = arith.constant 3 : i32
    %dma_start3A_129 = arith.constant 0 : i32
    %dma_start3A_130 = tpu.memref_slice %arg3[%dma_start3A_128, %add3A_106, %dma_start3A_129] : memref<4x8192x1024xf32, #tpu.memory_space<hbm>> -> memref<1x56x1024xf32, #tpu.memory_space<hbm>>
    %dma_start3A_131 = tpu.memref_squeeze %dma_start3A_130 : memref<1x56x1024xf32, #tpu.memory_space<hbm>> -> memref<56x1024xf32, #tpu.memory_space<hbm>>
    %dma_start3A_132 = arith.constant 0 : i32
    %dma_start3A_133 = tpu.memref_slice %arg3[%dma_start3A_128, %add3A_106, %dma_start3A_132] : memref<4x8192x1024xf32, #tpu.memory_space<hbm>> -> memref<1x56x1024xf32, #tpu.memory_space<hbm>>
    %dma_start3A_134 = tpu.memref_squeeze %dma_start3A_133 : memref<1x56x1024xf32, #tpu.memory_space<hbm>> -> memref<56x1024xf32, #tpu.memory_space<hbm>>
    tpu.enqueue_dma source(%arg5 : memref<56x1024xf32, #tpu.memory_space<vmem>>) target(%dma_start3A_134 : memref<56x1024xf32, #tpu.memory_space<hbm>>) target_semaphore(%arg9 : memref<!tpu.dma_semaphore, #tpu.memory_space<semaphore_mem>>)
    %dma_wait3A_135 = arith.constant 0 : i32
    %dma_wait3A_136 = arith.constant 0 : i32
    %dma_wait3A_137 = arith.constant 0 : i32
    %dma_wait3A_138 = tpu.memref_slice %arg4[%dma_wait3A_136, %dma_wait3A_137] : memref<56x1024xf32, #tpu.memory_space<vmem>> -> memref<32x1024xf32, #tpu.memory_space<vmem>>
    %dma_wait3A_139 = arith.constant 0 : i32
    %dma_wait3A_140 = tpu.memref_slice %arg3[%dma_wait3A_135, %add3A_32, %dma_wait3A_139] : memref<4x8192x1024xf32, #tpu.memory_space<hbm>> -> memref<1x32x1024xf32, #tpu.memory_space<hbm>>
    %dma_wait3A_141 = tpu.memref_squeeze %dma_wait3A_140 : memref<1x32x1024xf32, #tpu.memory_space<hbm>> -> memref<32x1024xf32, #tpu.memory_space<hbm>>
    %dma_wait3A_142 = arith.constant 0 : i32
    %dma_wait3A_143 = tpu.memref_slice %arg3[%dma_wait3A_135, %add3A_32, %dma_wait3A_142] : memref<4x8192x1024xf32, #tpu.memory_space<hbm>> -> memref<1x32x1024xf32, #tpu.memory_space<hbm>>
    %dma_wait3A_144 = tpu.memref_squeeze %dma_wait3A_143 : memref<1x32x1024xf32, #tpu.memory_space<hbm>> -> memref<32x1024xf32, #tpu.memory_space<hbm>>
    %dma_wait3A_145 = arith.constant 0 : i32
    %dma_wait3A_146 = arith.constant 0 : i32
    %dma_wait3A_147 = tpu.memref_slice %arg4[%dma_wait3A_145, %dma_wait3A_146] : memref<56x1024xf32, #tpu.memory_space<vmem>> -> memref<32x1024xf32, #tpu.memory_space<vmem>>
    tpu.wait_dma2 semaphore(%arg8 : memref<!tpu.dma_semaphore, #tpu.memory_space<semaphore_mem>>) src(%dma_wait3A_147 : memref<32x1024xf32, #tpu.memory_space<vmem>>) dst(%dma_wait3A_144 : memref<32x1024xf32, #tpu.memory_space<hbm>>)
    %dma_wait3A_148 = arith.constant 1 : i32
    %dma_wait3A_149 = arith.constant 0 : i32
    %dma_wait3A_150 = arith.constant 0 : i32
    %dma_wait3A_151 = tpu.memref_slice %arg4[%dma_wait3A_149, %dma_wait3A_150] : memref<56x1024xf32, #tpu.memory_space<vmem>> -> memref<32x1024xf32, #tpu.memory_space<vmem>>
    %dma_wait3A_152 = arith.constant 0 : i32
    %dma_wait3A_153 = tpu.memref_slice %arg3[%dma_wait3A_148, %add3A_34, %dma_wait3A_152] : memref<4x8192x1024xf32, #tpu.memory_space<hbm>> -> memref<1x32x1024xf32, #tpu.memory_space<hbm>>
    %dma_wait3A_154 = tpu.memref_squeeze %dma_wait3A_153 : memref<1x32x1024xf32, #tpu.memory_space<hbm>> -> memref<32x1024xf32, #tpu.memory_space<hbm>>
    %dma_wait3A_155 = arith.constant 0 : i32
    %dma_wait3A_156 = tpu.memref_slice %arg3[%dma_wait3A_148, %add3A_34, %dma_wait3A_155] : memref<4x8192x1024xf32, #tpu.memory_space<hbm>> -> memref<1x32x1024xf32, #tpu.memory_space<hbm>>
    %dma_wait3A_157 = tpu.memref_squeeze %dma_wait3A_156 : memref<1x32x1024xf32, #tpu.memory_space<hbm>> -> memref<32x1024xf32, #tpu.memory_space<hbm>>
    %dma_wait3A_158 = arith.constant 0 : i32
    %dma_wait3A_159 = arith.constant 0 : i32
    %dma_wait3A_160 = tpu.memref_slice %arg4[%dma_wait3A_158, %dma_wait3A_159] : memref<56x1024xf32, #tpu.memory_space<vmem>> -> memref<32x1024xf32, #tpu.memory_space<vmem>>
    tpu.wait_dma2 semaphore(%arg8 : memref<!tpu.dma_semaphore, #tpu.memory_space<semaphore_mem>>) src(%dma_wait3A_160 : memref<32x1024xf32, #tpu.memory_space<vmem>>) dst(%dma_wait3A_157 : memref<32x1024xf32, #tpu.memory_space<hbm>>)
    %dma_wait3A_161 = arith.constant 2 : i32
    %dma_wait3A_162 = arith.constant 0 : i32
    %dma_wait3A_163 = arith.constant 0 : i32
    %dma_wait3A_164 = tpu.memref_slice %arg4[%dma_wait3A_162, %dma_wait3A_163] : memref<56x1024xf32, #tpu.memory_space<vmem>> -> memref<32x1024xf32, #tpu.memory_space<vmem>>
    %dma_wait3A_165 = arith.constant 0 : i32
    %dma_wait3A_166 = tpu.memref_slice %arg3[%dma_wait3A_161, %add3A_36, %dma_wait3A_165] : memref<4x8192x1024xf32, #tpu.memory_space<hbm>> -> memref<1x32x1024xf32, #tpu.memory_space<hbm>>
    %dma_wait3A_167 = tpu.memref_squeeze %dma_wait3A_166 : memref<1x32x1024xf32, #tpu.memory_space<hbm>> -> memref<32x1024xf32, #tpu.memory_space<hbm>>
    %dma_wait3A_168 = arith.constant 0 : i32
    %dma_wait3A_169 = tpu.memref_slice %arg3[%dma_wait3A_161, %add3A_36, %dma_wait3A_168] : memref<4x8192x1024xf32, #tpu.memory_space<hbm>> -> memref<1x32x1024xf32, #tpu.memory_space<hbm>>
    %dma_wait3A_170 = tpu.memref_squeeze %dma_wait3A_169 : memref<1x32x1024xf32, #tpu.memory_space<hbm>> -> memref<32x1024xf32, #tpu.memory_space<hbm>>
    %dma_wait3A_171 = arith.constant 0 : i32
    %dma_wait3A_172 = arith.constant 0 : i32
    %dma_wait3A_173 = tpu.memref_slice %arg4[%dma_wait3A_171, %dma_wait3A_172] : memref<56x1024xf32, #tpu.memory_space<vmem>> -> memref<32x1024xf32, #tpu.memory_space<vmem>>
    tpu.wait_dma2 semaphore(%arg8 : memref<!tpu.dma_semaphore, #tpu.memory_space<semaphore_mem>>) src(%dma_wait3A_173 : memref<32x1024xf32, #tpu.memory_space<vmem>>) dst(%dma_wait3A_170 : memref<32x1024xf32, #tpu.memory_space<hbm>>)
    %dma_wait3A_174 = arith.constant 3 : i32
    %dma_wait3A_175 = arith.constant 0 : i32
    %dma_wait3A_176 = arith.constant 0 : i32
    %dma_wait3A_177 = tpu.memref_slice %arg4[%dma_wait3A_175, %dma_wait3A_176] : memref<56x1024xf32, #tpu.memory_space<vmem>> -> memref<32x1024xf32, #tpu.memory_space<vmem>>
    %dma_wait3A_178 = arith.constant 0 : i32
    %dma_wait3A_179 = tpu.memref_slice %arg3[%dma_wait3A_174, %add3A_38, %dma_wait3A_178] : memref<4x8192x1024xf32, #tpu.memory_space<hbm>> -> memref<1x32x1024xf32, #tpu.memory_space<hbm>>
    %dma_wait3A_180 = tpu.memref_squeeze %dma_wait3A_179 : memref<1x32x1024xf32, #tpu.memory_space<hbm>> -> memref<32x1024xf32, #tpu.memory_space<hbm>>
    %dma_wait3A_181 = arith.constant 0 : i32
    %dma_wait3A_182 = tpu.memref_slice %arg3[%dma_wait3A_174, %add3A_38, %dma_wait3A_181] : memref<4x8192x1024xf32, #tpu.memory_space<hbm>> -> memref<1x32x1024xf32, #tpu.memory_space<hbm>>
    %dma_wait3A_183 = tpu.memref_squeeze %dma_wait3A_182 : memref<1x32x1024xf32, #tpu.memory_space<hbm>> -> memref<32x1024xf32, #tpu.memory_space<hbm>>
    %dma_wait3A_184 = arith.constant 0 : i32
    %dma_wait3A_185 = arith.constant 0 : i32
    %dma_wait3A_186 = tpu.memref_slice %arg4[%dma_wait3A_184, %dma_wait3A_185] : memref<56x1024xf32, #tpu.memory_space<vmem>> -> memref<32x1024xf32, #tpu.memory_space<vmem>>
    tpu.wait_dma2 semaphore(%arg8 : memref<!tpu.dma_semaphore, #tpu.memory_space<semaphore_mem>>) src(%dma_wait3A_186 : memref<32x1024xf32, #tpu.memory_space<vmem>>) dst(%dma_wait3A_183 : memref<32x1024xf32, #tpu.memory_space<hbm>>)
    %dma_start3A_187 = arith.constant 0 : i32
    %dma_start3A_188 = tpu.memref_slice %arg2[%add3A_8, %dma_start3A_187] : memref<8192x1024xf32, #tpu.memory_space<hbm>> -> memref<56x1024xf32, #tpu.memory_space<hbm>>
    %dma_start3A_189 = arith.constant 0 : i32
    %dma_start3A_190 = tpu.memref_slice %arg2[%add3A_8, %dma_start3A_189] : memref<8192x1024xf32, #tpu.memory_space<hbm>> -> memref<56x1024xf32, #tpu.memory_space<hbm>>
    tpu.enqueue_dma source(%dma_start3A_190 : memref<56x1024xf32, #tpu.memory_space<hbm>>) target(%arg4 : memref<56x1024xf32, #tpu.memory_space<vmem>>) target_semaphore(%arg6 : memref<!tpu.dma_semaphore, #tpu.memory_space<semaphore_mem>>)
    %dma_wait3A_191 = arith.constant 0 : i32
    %dma_wait3A_192 = tpu.memref_slice %arg2[%add3A_8, %dma_wait3A_191] : memref<8192x1024xf32, #tpu.memory_space<hbm>> -> memref<56x1024xf32, #tpu.memory_space<hbm>>
    %dma_wait3A_193 = arith.constant 0 : i32
    %dma_wait3A_194 = tpu.memref_slice %arg2[%add3A_8, %dma_wait3A_193] : memref<8192x1024xf32, #tpu.memory_space<hbm>> -> memref<56x1024xf32, #tpu.memory_space<hbm>>
    tpu.wait_dma2 semaphore(%arg6 : memref<!tpu.dma_semaphore, #tpu.memory_space<semaphore_mem>>) src(%dma_wait3A_194 : memref<56x1024xf32, #tpu.memory_space<hbm>>) dst(%arg4 : memref<56x1024xf32, #tpu.memory_space<vmem>>)
    %add3A_195 = arith.constant 88 : i32
    %add3A_196 = arith.addi %mul3A_2, %add3A_195 : i32
    %add3A_197 = arith.constant 88 : i32
    %add3A_198 = arith.addi %mul3A_2, %add3A_197 : i32
    %add3A_199 = arith.constant 88 : i32
    %add3A_200 = arith.addi %mul3A_2, %add3A_199 : i32
    %add3A_201 = arith.constant 88 : i32
    %add3A_202 = arith.addi %mul3A_2, %add3A_201 : i32
    %dma_start3A_203 = arith.constant 0 : i32
    %dma_start3A_204 = arith.constant 0 : i32
    %dma_start3A_205 = tpu.memref_slice %arg3[%dma_start3A_203, %add3A_196, %dma_start3A_204] : memref<4x8192x1024xf32, #tpu.memory_space<hbm>> -> memref<1x56x1024xf32, #tpu.memory_space<hbm>>
    %dma_start3A_206 = tpu.memref_squeeze %dma_start3A_205 : memref<1x56x1024xf32, #tpu.memory_space<hbm>> -> memref<56x1024xf32, #tpu.memory_space<hbm>>
    %dma_start3A_207 = arith.constant 0 : i32
    %dma_start3A_208 = tpu.memref_slice %arg3[%dma_start3A_203, %add3A_196, %dma_start3A_207] : memref<4x8192x1024xf32, #tpu.memory_space<hbm>> -> memref<1x56x1024xf32, #tpu.memory_space<hbm>>
    %dma_start3A_209 = tpu.memref_squeeze %dma_start3A_208 : memref<1x56x1024xf32, #tpu.memory_space<hbm>> -> memref<56x1024xf32, #tpu.memory_space<hbm>>
    tpu.enqueue_dma source(%arg4 : memref<56x1024xf32, #tpu.memory_space<vmem>>) target(%dma_start3A_209 : memref<56x1024xf32, #tpu.memory_space<hbm>>) target_semaphore(%arg8 : memref<!tpu.dma_semaphore, #tpu.memory_space<semaphore_mem>>)
    %dma_start3A_210 = arith.constant 1 : i32
    %dma_start3A_211 = arith.constant 0 : i32
    %dma_start3A_212 = tpu.memref_slice %arg3[%dma_start3A_210, %add3A_198, %dma_start3A_211] : memref<4x8192x1024xf32, #tpu.memory_space<hbm>> -> memref<1x56x1024xf32, #tpu.memory_space<hbm>>
    %dma_start3A_213 = tpu.memref_squeeze %dma_start3A_212 : memref<1x56x1024xf32, #tpu.memory_space<hbm>> -> memref<56x1024xf32, #tpu.memory_space<hbm>>
    %dma_start3A_214 = arith.constant 0 : i32
    %dma_start3A_215 = tpu.memref_slice %arg3[%dma_start3A_210, %add3A_198, %dma_start3A_214] : memref<4x8192x1024xf32, #tpu.memory_space<hbm>> -> memref<1x56x1024xf32, #tpu.memory_space<hbm>>
    %dma_start3A_216 = tpu.memref_squeeze %dma_start3A_215 : memref<1x56x1024xf32, #tpu.memory_space<hbm>> -> memref<56x1024xf32, #tpu.memory_space<hbm>>
    tpu.enqueue_dma source(%arg4 : memref<56x1024xf32, #tpu.memory_space<vmem>>) target(%dma_start3A_216 : memref<56x1024xf32, #tpu.memory_space<hbm>>) target_semaphore(%arg8 : memref<!tpu.dma_semaphore, #tpu.memory_space<semaphore_mem>>)
    %dma_start3A_217 = arith.constant 2 : i32
    %dma_start3A_218 = arith.constant 0 : i32
    %dma_start3A_219 = tpu.memref_slice %arg3[%dma_start3A_217, %add3A_200, %dma_start3A_218] : memref<4x8192x1024xf32, #tpu.memory_space<hbm>> -> memref<1x56x1024xf32, #tpu.memory_space<hbm>>
    %dma_start3A_220 = tpu.memref_squeeze %dma_start3A_219 : memref<1x56x1024xf32, #tpu.memory_space<hbm>> -> memref<56x1024xf32, #tpu.memory_space<hbm>>
    %dma_start3A_221 = arith.constant 0 : i32
    %dma_start3A_222 = tpu.memref_slice %arg3[%dma_start3A_217, %add3A_200, %dma_start3A_221] : memref<4x8192x1024xf32, #tpu.memory_space<hbm>> -> memref<1x56x1024xf32, #tpu.memory_space<hbm>>
    %dma_start3A_223 = tpu.memref_squeeze %dma_start3A_222 : memref<1x56x1024xf32, #tpu.memory_space<hbm>> -> memref<56x1024xf32, #tpu.memory_space<hbm>>
    tpu.enqueue_dma source(%arg4 : memref<56x1024xf32, #tpu.memory_space<vmem>>) target(%dma_start3A_223 : memref<56x1024xf32, #tpu.memory_space<hbm>>) target_semaphore(%arg8 : memref<!tpu.dma_semaphore, #tpu.memory_space<semaphore_mem>>)
    %dma_start3A_224 = arith.constant 3 : i32
    %dma_start3A_225 = arith.constant 0 : i32
    %dma_start3A_226 = tpu.memref_slice %arg3[%dma_start3A_224, %add3A_202, %dma_start3A_225] : memref<4x8192x1024xf32, #tpu.memory_space<hbm>> -> memref<1x56x1024xf32, #tpu.memory_space<hbm>>
    %dma_start3A_227 = tpu.memref_squeeze %dma_start3A_226 : memref<1x56x1024xf32, #tpu.memory_space<hbm>> -> memref<56x1024xf32, #tpu.memory_space<hbm>>
    %dma_start3A_228 = arith.constant 0 : i32
    %dma_start3A_229 = tpu.memref_slice %arg3[%dma_start3A_224, %add3A_202, %dma_start3A_228] : memref<4x8192x1024xf32, #tpu.memory_space<hbm>> -> memref<1x56x1024xf32, #tpu.memory_space<hbm>>
    %dma_start3A_230 = tpu.memref_squeeze %dma_start3A_229 : memref<1x56x1024xf32, #tpu.memory_space<hbm>> -> memref<56x1024xf32, #tpu.memory_space<hbm>>
    tpu.enqueue_dma source(%arg4 : memref<56x1024xf32, #tpu.memory_space<vmem>>) target(%dma_start3A_230 : memref<56x1024xf32, #tpu.memory_space<hbm>>) target_semaphore(%arg8 : memref<!tpu.dma_semaphore, #tpu.memory_space<semaphore_mem>>)
    %dma_wait3A_231 = arith.constant 0 : i32
    %dma_wait3A_232 = arith.constant 0 : i32
    %dma_wait3A_233 = tpu.memref_slice %arg3[%dma_wait3A_231, %add3A_100, %dma_wait3A_232] : memref<4x8192x1024xf32, #tpu.memory_space<hbm>> -> memref<1x56x1024xf32, #tpu.memory_space<hbm>>
    %dma_wait3A_234 = tpu.memref_squeeze %dma_wait3A_233 : memref<1x56x1024xf32, #tpu.memory_space<hbm>> -> memref<56x1024xf32, #tpu.memory_space<hbm>>
    %dma_wait3A_235 = arith.constant 0 : i32
    %dma_wait3A_236 = tpu.memref_slice %arg3[%dma_wait3A_231, %add3A_100, %dma_wait3A_235] : memref<4x8192x1024xf32, #tpu.memory_space<hbm>> -> memref<1x56x1024xf32, #tpu.memory_space<hbm>>
    %dma_wait3A_237 = tpu.memref_squeeze %dma_wait3A_236 : memref<1x56x1024xf32, #tpu.memory_space<hbm>> -> memref<56x1024xf32, #tpu.memory_space<hbm>>
    tpu.wait_dma2 semaphore(%arg9 : memref<!tpu.dma_semaphore, #tpu.memory_space<semaphore_mem>>) src(%arg5 : memref<56x1024xf32, #tpu.memory_space<vmem>>) dst(%dma_wait3A_237 : memref<56x1024xf32, #tpu.memory_space<hbm>>)
    %dma_wait3A_238 = arith.constant 1 : i32
    %dma_wait3A_239 = arith.constant 0 : i32
    %dma_wait3A_240 = tpu.memref_slice %arg3[%dma_wait3A_238, %add3A_102, %dma_wait3A_239] : memref<4x8192x1024xf32, #tpu.memory_space<hbm>> -> memref<1x56x1024xf32, #tpu.memory_space<hbm>>
    %dma_wait3A_241 = tpu.memref_squeeze %dma_wait3A_240 : memref<1x56x1024xf32, #tpu.memory_space<hbm>> -> memref<56x1024xf32, #tpu.memory_space<hbm>>
    %dma_wait3A_242 = arith.constant 0 : i32
    %dma_wait3A_243 = tpu.memref_slice %arg3[%dma_wait3A_238, %add3A_102, %dma_wait3A_242] : memref<4x8192x1024xf32, #tpu.memory_space<hbm>> -> memref<1x56x1024xf32, #tpu.memory_space<hbm>>
    %dma_wait3A_244 = tpu.memref_squeeze %dma_wait3A_243 : memref<1x56x1024xf32, #tpu.memory_space<hbm>> -> memref<56x1024xf32, #tpu.memory_space<hbm>>
    tpu.wait_dma2 semaphore(%arg9 : memref<!tpu.dma_semaphore, #tpu.memory_space<semaphore_mem>>) src(%arg5 : memref<56x1024xf32, #tpu.memory_space<vmem>>) dst(%dma_wait3A_244 : memref<56x1024xf32, #tpu.memory_space<hbm>>)
    %dma_wait3A_245 = arith.constant 2 : i32
    %dma_wait3A_246 = arith.constant 0 : i32
    %dma_wait3A_247 = tpu.memref_slice %arg3[%dma_wait3A_245, %add3A_104, %dma_wait3A_246] : memref<4x8192x1024xf32, #tpu.memory_space<hbm>> -> memref<1x56x1024xf32, #tpu.memory_space<hbm>>
    %dma_wait3A_248 = tpu.memref_squeeze %dma_wait3A_247 : memref<1x56x1024xf32, #tpu.memory_space<hbm>> -> memref<56x1024xf32, #tpu.memory_space<hbm>>
    %dma_wait3A_249 = arith.constant 0 : i32
    %dma_wait3A_250 = tpu.memref_slice %arg3[%dma_wait3A_245, %add3A_104, %dma_wait3A_249] : memref<4x8192x1024xf32, #tpu.memory_space<hbm>> -> memref<1x56x1024xf32, #tpu.memory_space<hbm>>
    %dma_wait3A_251 = tpu.memref_squeeze %dma_wait3A_250 : memref<1x56x1024xf32, #tpu.memory_space<hbm>> -> memref<56x1024xf32, #tpu.memory_space<hbm>>
    tpu.wait_dma2 semaphore(%arg9 : memref<!tpu.dma_semaphore, #tpu.memory_space<semaphore_mem>>) src(%arg5 : memref<56x1024xf32, #tpu.memory_space<vmem>>) dst(%dma_wait3A_251 : memref<56x1024xf32, #tpu.memory_space<hbm>>)
    %dma_wait3A_252 = arith.constant 3 : i32
    %dma_wait3A_253 = arith.constant 0 : i32
    %dma_wait3A_254 = tpu.memref_slice %arg3[%dma_wait3A_252, %add3A_106, %dma_wait3A_253] : memref<4x8192x1024xf32, #tpu.memory_space<hbm>> -> memref<1x56x1024xf32, #tpu.memory_space<hbm>>
    %dma_wait3A_255 = tpu.memref_squeeze %dma_wait3A_254 : memref<1x56x1024xf32, #tpu.memory_space<hbm>> -> memref<56x1024xf32, #tpu.memory_space<hbm>>
    %dma_wait3A_256 = arith.constant 0 : i32
    %dma_wait3A_257 = tpu.memref_slice %arg3[%dma_wait3A_252, %add3A_106, %dma_wait3A_256] : memref<4x8192x1024xf32, #tpu.memory_space<hbm>> -> memref<1x56x1024xf32, #tpu.memory_space<hbm>>
    %dma_wait3A_258 = tpu.memref_squeeze %dma_wait3A_257 : memref<1x56x1024xf32, #tpu.memory_space<hbm>> -> memref<56x1024xf32, #tpu.memory_space<hbm>>
    tpu.wait_dma2 semaphore(%arg9 : memref<!tpu.dma_semaphore, #tpu.memory_space<semaphore_mem>>) src(%arg5 : memref<56x1024xf32, #tpu.memory_space<vmem>>) dst(%dma_wait3A_258 : memref<56x1024xf32, #tpu.memory_space<hbm>>)
    %dma_start3A_259 = arith.constant 0 : i32
    %dma_start3A_260 = tpu.memref_slice %arg2[%add3A_10, %dma_start3A_259] : memref<8192x1024xf32, #tpu.memory_space<hbm>> -> memref<56x1024xf32, #tpu.memory_space<hbm>>
    %dma_start3A_261 = arith.constant 0 : i32
    %dma_start3A_262 = tpu.memref_slice %arg2[%add3A_10, %dma_start3A_261] : memref<8192x1024xf32, #tpu.memory_space<hbm>> -> memref<56x1024xf32, #tpu.memory_space<hbm>>
    tpu.enqueue_dma source(%dma_start3A_262 : memref<56x1024xf32, #tpu.memory_space<hbm>>) target(%arg5 : memref<56x1024xf32, #tpu.memory_space<vmem>>) target_semaphore(%arg7 : memref<!tpu.dma_semaphore, #tpu.memory_space<semaphore_mem>>)
    %dma_wait3A_263 = arith.constant 0 : i32
    %dma_wait3A_264 = tpu.memref_slice %arg2[%add3A_10, %dma_wait3A_263] : memref<8192x1024xf32, #tpu.memory_space<hbm>> -> memref<56x1024xf32, #tpu.memory_space<hbm>>
    %dma_wait3A_265 = arith.constant 0 : i32
    %dma_wait3A_266 = tpu.memref_slice %arg2[%add3A_10, %dma_wait3A_265] : memref<8192x1024xf32, #tpu.memory_space<hbm>> -> memref<56x1024xf32, #tpu.memory_space<hbm>>
    tpu.wait_dma2 semaphore(%arg7 : memref<!tpu.dma_semaphore, #tpu.memory_space<semaphore_mem>>) src(%dma_wait3A_266 : memref<56x1024xf32, #tpu.memory_space<hbm>>) dst(%arg5 : memref<56x1024xf32, #tpu.memory_space<vmem>>)
    %add3A_267 = arith.constant 144 : i32
    %add3A_268 = arith.addi %mul3A_2, %add3A_267 : i32
    %add3A_269 = arith.constant 144 : i32
    %add3A_270 = arith.addi %mul3A_2, %add3A_269 : i32
    %add3A_271 = arith.constant 144 : i32
    %add3A_272 = arith.addi %mul3A_2, %add3A_271 : i32
    %add3A_273 = arith.constant 144 : i32
    %add3A_274 = arith.addi %mul3A_2, %add3A_273 : i32
    %dma_start3A_275 = arith.constant 0 : i32
    %dma_start3A_276 = arith.constant 0 : i32
    %dma_start3A_277 = tpu.memref_slice %arg3[%dma_start3A_275, %add3A_268, %dma_start3A_276] : memref<4x8192x1024xf32, #tpu.memory_space<hbm>> -> memref<1x56x1024xf32, #tpu.memory_space<hbm>>
    %dma_start3A_278 = tpu.memref_squeeze %dma_start3A_277 : memref<1x56x1024xf32, #tpu.memory_space<hbm>> -> memref<56x1024xf32, #tpu.memory_space<hbm>>
    %dma_start3A_279 = arith.constant 0 : i32
    %dma_start3A_280 = tpu.memref_slice %arg3[%dma_start3A_275, %add3A_268, %dma_start3A_279] : memref<4x8192x1024xf32, #tpu.memory_space<hbm>> -> memref<1x56x1024xf32, #tpu.memory_space<hbm>>
    %dma_start3A_281 = tpu.memref_squeeze %dma_start3A_280 : memref<1x56x1024xf32, #tpu.memory_space<hbm>> -> memref<56x1024xf32, #tpu.memory_space<hbm>>
    tpu.enqueue_dma source(%arg5 : memref<56x1024xf32, #tpu.memory_space<vmem>>) target(%dma_start3A_281 : memref<56x1024xf32, #tpu.memory_space<hbm>>) target_semaphore(%arg9 : memref<!tpu.dma_semaphore, #tpu.memory_space<semaphore_mem>>)
    %dma_start3A_282 = arith.constant 1 : i32
    %dma_start3A_283 = arith.constant 0 : i32
    %dma_start3A_284 = tpu.memref_slice %arg3[%dma_start3A_282, %add3A_270, %dma_start3A_283] : memref<4x8192x1024xf32, #tpu.memory_space<hbm>> -> memref<1x56x1024xf32, #tpu.memory_space<hbm>>
    %dma_start3A_285 = tpu.memref_squeeze %dma_start3A_284 : memref<1x56x1024xf32, #tpu.memory_space<hbm>> -> memref<56x1024xf32, #tpu.memory_space<hbm>>
    %dma_start3A_286 = arith.constant 0 : i32
    %dma_start3A_287 = tpu.memref_slice %arg3[%dma_start3A_282, %add3A_270, %dma_start3A_286] : memref<4x8192x1024xf32, #tpu.memory_space<hbm>> -> memref<1x56x1024xf32, #tpu.memory_space<hbm>>
    %dma_start3A_288 = tpu.memref_squeeze %dma_start3A_287 : memref<1x56x1024xf32, #tpu.memory_space<hbm>> -> memref<56x1024xf32, #tpu.memory_space<hbm>>
    tpu.enqueue_dma source(%arg5 : memref<56x1024xf32, #tpu.memory_space<vmem>>) target(%dma_start3A_288 : memref<56x1024xf32, #tpu.memory_space<hbm>>) target_semaphore(%arg9 : memref<!tpu.dma_semaphore, #tpu.memory_space<semaphore_mem>>)
    %dma_start3A_289 = arith.constant 2 : i32
    %dma_start3A_290 = arith.constant 0 : i32
    %dma_start3A_291 = tpu.memref_slice %arg3[%dma_start3A_289, %add3A_272, %dma_start3A_290] : memref<4x8192x1024xf32, #tpu.memory_space<hbm>> -> memref<1x56x1024xf32, #tpu.memory_space<hbm>>
    %dma_start3A_292 = tpu.memref_squeeze %dma_start3A_291 : memref<1x56x1024xf32, #tpu.memory_space<hbm>> -> memref<56x1024xf32, #tpu.memory_space<hbm>>
    %dma_start3A_293 = arith.constant 0 : i32
    %dma_start3A_294 = tpu.memref_slice %arg3[%dma_start3A_289, %add3A_272, %dma_start3A_293] : memref<4x8192x1024xf32, #tpu.memory_space<hbm>> -> memref<1x56x1024xf32, #tpu.memory_space<hbm>>
    %dma_start3A_295 = tpu.memref_squeeze %dma_start3A_294 : memref<1x56x1024xf32, #tpu.memory_space<hbm>> -> memref<56x1024xf32, #tpu.memory_space<hbm>>
    tpu.enqueue_dma source(%arg5 : memref<56x1024xf32, #tpu.memory_space<vmem>>) target(%dma_start3A_295 : memref<56x1024xf32, #tpu.memory_space<hbm>>) target_semaphore(%arg9 : memref<!tpu.dma_semaphore, #tpu.memory_space<semaphore_mem>>)
    %dma_start3A_296 = arith.constant 3 : i32
    %dma_start3A_297 = arith.constant 0 : i32
    %dma_start3A_298 = tpu.memref_slice %arg3[%dma_start3A_296, %add3A_274, %dma_start3A_297] : memref<4x8192x1024xf32, #tpu.memory_space<hbm>> -> memref<1x56x1024xf32, #tpu.memory_space<hbm>>
    %dma_start3A_299 = tpu.memref_squeeze %dma_start3A_298 : memref<1x56x1024xf32, #tpu.memory_space<hbm>> -> memref<56x1024xf32, #tpu.memory_space<hbm>>
    %dma_start3A_300 = arith.constant 0 : i32
    %dma_start3A_301 = tpu.memref_slice %arg3[%dma_start3A_296, %add3A_274, %dma_start3A_300] : memref<4x8192x1024xf32, #tpu.memory_space<hbm>> -> memref<1x56x1024xf32, #tpu.memory_space<hbm>>
    %dma_start3A_302 = tpu.memref_squeeze %dma_start3A_301 : memref<1x56x1024xf32, #tpu.memory_space<hbm>> -> memref<56x1024xf32, #tpu.memory_space<hbm>>
    tpu.enqueue_dma source(%arg5 : memref<56x1024xf32, #tpu.memory_space<vmem>>) target(%dma_start3A_302 : memref<56x1024xf32, #tpu.memory_space<hbm>>) target_semaphore(%arg9 : memref<!tpu.dma_semaphore, #tpu.memory_space<semaphore_mem>>)
    %dma_wait3A_303 = arith.constant 0 : i32
    %dma_wait3A_304 = arith.constant 0 : i32
    %dma_wait3A_305 = tpu.memref_slice %arg3[%dma_wait3A_303, %add3A_196, %dma_wait3A_304] : memref<4x8192x1024xf32, #tpu.memory_space<hbm>> -> memref<1x56x1024xf32, #tpu.memory_space<hbm>>
    %dma_wait3A_306 = tpu.memref_squeeze %dma_wait3A_305 : memref<1x56x1024xf32, #tpu.memory_space<hbm>> -> memref<56x1024xf32, #tpu.memory_space<hbm>>
    %dma_wait3A_307 = arith.constant 0 : i32
    %dma_wait3A_308 = tpu.memref_slice %arg3[%dma_wait3A_303, %add3A_196, %dma_wait3A_307] : memref<4x8192x1024xf32, #tpu.memory_space<hbm>> -> memref<1x56x1024xf32, #tpu.memory_space<hbm>>
    %dma_wait3A_309 = tpu.memref_squeeze %dma_wait3A_308 : memref<1x56x1024xf32, #tpu.memory_space<hbm>> -> memref<56x1024xf32, #tpu.memory_space<hbm>>
    tpu.wait_dma2 semaphore(%arg8 : memref<!tpu.dma_semaphore, #tpu.memory_space<semaphore_mem>>) src(%arg4 : memref<56x1024xf32, #tpu.memory_space<vmem>>) dst(%dma_wait3A_309 : memref<56x1024xf32, #tpu.memory_space<hbm>>)
    %dma_wait3A_310 = arith.constant 1 : i32
    %dma_wait3A_311 = arith.constant 0 : i32
    %dma_wait3A_312 = tpu.memref_slice %arg3[%dma_wait3A_310, %add3A_198, %dma_wait3A_311] : memref<4x8192x1024xf32, #tpu.memory_space<hbm>> -> memref<1x56x1024xf32, #tpu.memory_space<hbm>>
    %dma_wait3A_313 = tpu.memref_squeeze %dma_wait3A_312 : memref<1x56x1024xf32, #tpu.memory_space<hbm>> -> memref<56x1024xf32, #tpu.memory_space<hbm>>
    %dma_wait3A_314 = arith.constant 0 : i32
    %dma_wait3A_315 = tpu.memref_slice %arg3[%dma_wait3A_310, %add3A_198, %dma_wait3A_314] : memref<4x8192x1024xf32, #tpu.memory_space<hbm>> -> memref<1x56x1024xf32, #tpu.memory_space<hbm>>
    %dma_wait3A_316 = tpu.memref_squeeze %dma_wait3A_315 : memref<1x56x1024xf32, #tpu.memory_space<hbm>> -> memref<56x1024xf32, #tpu.memory_space<hbm>>
    tpu.wait_dma2 semaphore(%arg8 : memref<!tpu.dma_semaphore, #tpu.memory_space<semaphore_mem>>) src(%arg4 : memref<56x1024xf32, #tpu.memory_space<vmem>>) dst(%dma_wait3A_316 : memref<56x1024xf32, #tpu.memory_space<hbm>>)
    %dma_wait3A_317 = arith.constant 2 : i32
    %dma_wait3A_318 = arith.constant 0 : i32
    %dma_wait3A_319 = tpu.memref_slice %arg3[%dma_wait3A_317, %add3A_200, %dma_wait3A_318] : memref<4x8192x1024xf32, #tpu.memory_space<hbm>> -> memref<1x56x1024xf32, #tpu.memory_space<hbm>>
    %dma_wait3A_320 = tpu.memref_squeeze %dma_wait3A_319 : memref<1x56x1024xf32, #tpu.memory_space<hbm>> -> memref<56x1024xf32, #tpu.memory_space<hbm>>
    %dma_wait3A_321 = arith.constant 0 : i32
    %dma_wait3A_322 = tpu.memref_slice %arg3[%dma_wait3A_317, %add3A_200, %dma_wait3A_321] : memref<4x8192x1024xf32, #tpu.memory_space<hbm>> -> memref<1x56x1024xf32, #tpu.memory_space<hbm>>
    %dma_wait3A_323 = tpu.memref_squeeze %dma_wait3A_322 : memref<1x56x1024xf32, #tpu.memory_space<hbm>> -> memref<56x1024xf32, #tpu.memory_space<hbm>>
    tpu.wait_dma2 semaphore(%arg8 : memref<!tpu.dma_semaphore, #tpu.memory_space<semaphore_mem>>) src(%arg4 : memref<56x1024xf32, #tpu.memory_space<vmem>>) dst(%dma_wait3A_323 : memref<56x1024xf32, #tpu.memory_space<hbm>>)
    %dma_wait3A_324 = arith.constant 3 : i32
    %dma_wait3A_325 = arith.constant 0 : i32
    %dma_wait3A_326 = tpu.memref_slice %arg3[%dma_wait3A_324, %add3A_202, %dma_wait3A_325] : memref<4x8192x1024xf32, #tpu.memory_space<hbm>> -> memref<1x56x1024xf32, #tpu.memory_space<hbm>>
    %dma_wait3A_327 = tpu.memref_squeeze %dma_wait3A_326 : memref<1x56x1024xf32, #tpu.memory_space<hbm>> -> memref<56x1024xf32, #tpu.memory_space<hbm>>
    %dma_wait3A_328 = arith.constant 0 : i32
    %dma_wait3A_329 = tpu.memref_slice %arg3[%dma_wait3A_324, %add3A_202, %dma_wait3A_328] : memref<4x8192x1024xf32, #tpu.memory_space<hbm>> -> memref<1x56x1024xf32, #tpu.memory_space<hbm>>
    %dma_wait3A_330 = tpu.memref_squeeze %dma_wait3A_329 : memref<1x56x1024xf32, #tpu.memory_space<hbm>> -> memref<56x1024xf32, #tpu.memory_space<hbm>>
    tpu.wait_dma2 semaphore(%arg8 : memref<!tpu.dma_semaphore, #tpu.memory_space<semaphore_mem>>) src(%arg4 : memref<56x1024xf32, #tpu.memory_space<vmem>>) dst(%dma_wait3A_330 : memref<56x1024xf32, #tpu.memory_space<hbm>>)
    %dma_start3A_331 = arith.constant 0 : i32
    %dma_start3A_332 = tpu.memref_slice %arg2[%add3A_12, %dma_start3A_331] : memref<8192x1024xf32, #tpu.memory_space<hbm>> -> memref<56x1024xf32, #tpu.memory_space<hbm>>
    %dma_start3A_333 = arith.constant 0 : i32
    %dma_start3A_334 = tpu.memref_slice %arg2[%add3A_12, %dma_start3A_333] : memref<8192x1024xf32, #tpu.memory_space<hbm>> -> memref<56x1024xf32, #tpu.memory_space<hbm>>
    tpu.enqueue_dma source(%dma_start3A_334 : memref<56x1024xf32, #tpu.memory_space<hbm>>) target(%arg4 : memref<56x1024xf32, #tpu.memory_space<vmem>>) target_semaphore(%arg6 : memref<!tpu.dma_semaphore, #tpu.memory_space<semaphore_mem>>)
    %dma_wait3A_335 = arith.constant 0 : i32
    %dma_wait3A_336 = tpu.memref_slice %arg2[%add3A_12, %dma_wait3A_335] : memref<8192x1024xf32, #tpu.memory_space<hbm>> -> memref<56x1024xf32, #tpu.memory_space<hbm>>
    %dma_wait3A_337 = arith.constant 0 : i32
    %dma_wait3A_338 = tpu.memref_slice %arg2[%add3A_12, %dma_wait3A_337] : memref<8192x1024xf32, #tpu.memory_space<hbm>> -> memref<56x1024xf32, #tpu.memory_space<hbm>>
    tpu.wait_dma2 semaphore(%arg6 : memref<!tpu.dma_semaphore, #tpu.memory_space<semaphore_mem>>) src(%dma_wait3A_338 : memref<56x1024xf32, #tpu.memory_space<hbm>>) dst(%arg4 : memref<56x1024xf32, #tpu.memory_space<vmem>>)
    %add3A_339 = arith.constant 200 : i32
    %add3A_340 = arith.addi %mul3A_2, %add3A_339 : i32
    %add3A_341 = arith.constant 200 : i32
    %add3A_342 = arith.addi %mul3A_2, %add3A_341 : i32
    %add3A_343 = arith.constant 200 : i32
    %add3A_344 = arith.addi %mul3A_2, %add3A_343 : i32
    %add3A_345 = arith.constant 200 : i32
    %add3A_346 = arith.addi %mul3A_2, %add3A_345 : i32
    %dma_start3A_347 = arith.constant 0 : i32
    %dma_start3A_348 = arith.constant 0 : i32
    %dma_start3A_349 = tpu.memref_slice %arg3[%dma_start3A_347, %add3A_340, %dma_start3A_348] : memref<4x8192x1024xf32, #tpu.memory_space<hbm>> -> memref<1x56x1024xf32, #tpu.memory_space<hbm>>
    %dma_start3A_350 = tpu.memref_squeeze %dma_start3A_349 : memref<1x56x1024xf32, #tpu.memory_space<hbm>> -> memref<56x1024xf32, #tpu.memory_space<hbm>>
    %dma_start3A_351 = arith.constant 0 : i32
    %dma_start3A_352 = tpu.memref_slice %arg3[%dma_start3A_347, %add3A_340, %dma_start3A_351] : memref<4x8192x1024xf32, #tpu.memory_space<hbm>> -> memref<1x56x1024xf32, #tpu.memory_space<hbm>>
    %dma_start3A_353 = tpu.memref_squeeze %dma_start3A_352 : memref<1x56x1024xf32, #tpu.memory_space<hbm>> -> memref<56x1024xf32, #tpu.memory_space<hbm>>
    tpu.enqueue_dma source(%arg4 : memref<56x1024xf32, #tpu.memory_space<vmem>>) target(%dma_start3A_353 : memref<56x1024xf32, #tpu.memory_space<hbm>>) target_semaphore(%arg8 : memref<!tpu.dma_semaphore, #tpu.memory_space<semaphore_mem>>)
    %dma_start3A_354 = arith.constant 1 : i32
    %dma_start3A_355 = arith.constant 0 : i32
    %dma_start3A_356 = tpu.memref_slice %arg3[%dma_start3A_354, %add3A_342, %dma_start3A_355] : memref<4x8192x1024xf32, #tpu.memory_space<hbm>> -> memref<1x56x1024xf32, #tpu.memory_space<hbm>>
    %dma_start3A_357 = tpu.memref_squeeze %dma_start3A_356 : memref<1x56x1024xf32, #tpu.memory_space<hbm>> -> memref<56x1024xf32, #tpu.memory_space<hbm>>
    %dma_start3A_358 = arith.constant 0 : i32
    %dma_start3A_359 = tpu.memref_slice %arg3[%dma_start3A_354, %add3A_342, %dma_start3A_358] : memref<4x8192x1024xf32, #tpu.memory_space<hbm>> -> memref<1x56x1024xf32, #tpu.memory_space<hbm>>
    %dma_start3A_360 = tpu.memref_squeeze %dma_start3A_359 : memref<1x56x1024xf32, #tpu.memory_space<hbm>> -> memref<56x1024xf32, #tpu.memory_space<hbm>>
    tpu.enqueue_dma source(%arg4 : memref<56x1024xf32, #tpu.memory_space<vmem>>) target(%dma_start3A_360 : memref<56x1024xf32, #tpu.memory_space<hbm>>) target_semaphore(%arg8 : memref<!tpu.dma_semaphore, #tpu.memory_space<semaphore_mem>>)
    %dma_start3A_361 = arith.constant 2 : i32
    %dma_start3A_362 = arith.constant 0 : i32
    %dma_start3A_363 = tpu.memref_slice %arg3[%dma_start3A_361, %add3A_344, %dma_start3A_362] : memref<4x8192x1024xf32, #tpu.memory_space<hbm>> -> memref<1x56x1024xf32, #tpu.memory_space<hbm>>
    %dma_start3A_364 = tpu.memref_squeeze %dma_start3A_363 : memref<1x56x1024xf32, #tpu.memory_space<hbm>> -> memref<56x1024xf32, #tpu.memory_space<hbm>>
    %dma_start3A_365 = arith.constant 0 : i32
    %dma_start3A_366 = tpu.memref_slice %arg3[%dma_start3A_361, %add3A_344, %dma_start3A_365] : memref<4x8192x1024xf32, #tpu.memory_space<hbm>> -> memref<1x56x1024xf32, #tpu.memory_space<hbm>>
    %dma_start3A_367 = tpu.memref_squeeze %dma_start3A_366 : memref<1x56x1024xf32, #tpu.memory_space<hbm>> -> memref<56x1024xf32, #tpu.memory_space<hbm>>
    tpu.enqueue_dma source(%arg4 : memref<56x1024xf32, #tpu.memory_space<vmem>>) target(%dma_start3A_367 : memref<56x1024xf32, #tpu.memory_space<hbm>>) target_semaphore(%arg8 : memref<!tpu.dma_semaphore, #tpu.memory_space<semaphore_mem>>)
    %dma_start3A_368 = arith.constant 3 : i32
    %dma_start3A_369 = arith.constant 0 : i32
    %dma_start3A_370 = tpu.memref_slice %arg3[%dma_start3A_368, %add3A_346, %dma_start3A_369] : memref<4x8192x1024xf32, #tpu.memory_space<hbm>> -> memref<1x56x1024xf32, #tpu.memory_space<hbm>>
    %dma_start3A_371 = tpu.memref_squeeze %dma_start3A_370 : memref<1x56x1024xf32, #tpu.memory_space<hbm>> -> memref<56x1024xf32, #tpu.memory_space<hbm>>
    %dma_start3A_372 = arith.constant 0 : i32
    %dma_start3A_373 = tpu.memref_slice %arg3[%dma_start3A_368, %add3A_346, %dma_start3A_372] : memref<4x8192x1024xf32, #tpu.memory_space<hbm>> -> memref<1x56x1024xf32, #tpu.memory_space<hbm>>
    %dma_start3A_374 = tpu.memref_squeeze %dma_start3A_373 : memref<1x56x1024xf32, #tpu.memory_space<hbm>> -> memref<56x1024xf32, #tpu.memory_space<hbm>>
    tpu.enqueue_dma source(%arg4 : memref<56x1024xf32, #tpu.memory_space<vmem>>) target(%dma_start3A_374 : memref<56x1024xf32, #tpu.memory_space<hbm>>) target_semaphore(%arg8 : memref<!tpu.dma_semaphore, #tpu.memory_space<semaphore_mem>>)
    %dma_wait3A_375 = arith.constant 0 : i32
    %dma_wait3A_376 = arith.constant 0 : i32
    %dma_wait3A_377 = tpu.memref_slice %arg3[%dma_wait3A_375, %add3A_268, %dma_wait3A_376] : memref<4x8192x1024xf32, #tpu.memory_space<hbm>> -> memref<1x56x1024xf32, #tpu.memory_space<hbm>>
    %dma_wait3A_378 = tpu.memref_squeeze %dma_wait3A_377 : memref<1x56x1024xf32, #tpu.memory_space<hbm>> -> memref<56x1024xf32, #tpu.memory_space<hbm>>
    %dma_wait3A_379 = arith.constant 0 : i32
    %dma_wait3A_380 = tpu.memref_slice %arg3[%dma_wait3A_375, %add3A_268, %dma_wait3A_379] : memref<4x8192x1024xf32, #tpu.memory_space<hbm>> -> memref<1x56x1024xf32, #tpu.memory_space<hbm>>
    %dma_wait3A_381 = tpu.memref_squeeze %dma_wait3A_380 : memref<1x56x1024xf32, #tpu.memory_space<hbm>> -> memref<56x1024xf32, #tpu.memory_space<hbm>>
    tpu.wait_dma2 semaphore(%arg9 : memref<!tpu.dma_semaphore, #tpu.memory_space<semaphore_mem>>) src(%arg5 : memref<56x1024xf32, #tpu.memory_space<vmem>>) dst(%dma_wait3A_381 : memref<56x1024xf32, #tpu.memory_space<hbm>>)
    %dma_wait3A_382 = arith.constant 1 : i32
    %dma_wait3A_383 = arith.constant 0 : i32
    %dma_wait3A_384 = tpu.memref_slice %arg3[%dma_wait3A_382, %add3A_270, %dma_wait3A_383] : memref<4x8192x1024xf32, #tpu.memory_space<hbm>> -> memref<1x56x1024xf32, #tpu.memory_space<hbm>>
    %dma_wait3A_385 = tpu.memref_squeeze %dma_wait3A_384 : memref<1x56x1024xf32, #tpu.memory_space<hbm>> -> memref<56x1024xf32, #tpu.memory_space<hbm>>
    %dma_wait3A_386 = arith.constant 0 : i32
    %dma_wait3A_387 = tpu.memref_slice %arg3[%dma_wait3A_382, %add3A_270, %dma_wait3A_386] : memref<4x8192x1024xf32, #tpu.memory_space<hbm>> -> memref<1x56x1024xf32, #tpu.memory_space<hbm>>
    %dma_wait3A_388 = tpu.memref_squeeze %dma_wait3A_387 : memref<1x56x1024xf32, #tpu.memory_space<hbm>> -> memref<56x1024xf32, #tpu.memory_space<hbm>>
    tpu.wait_dma2 semaphore(%arg9 : memref<!tpu.dma_semaphore, #tpu.memory_space<semaphore_mem>>) src(%arg5 : memref<56x1024xf32, #tpu.memory_space<vmem>>) dst(%dma_wait3A_388 : memref<56x1024xf32, #tpu.memory_space<hbm>>)
    %dma_wait3A_389 = arith.constant 2 : i32
    %dma_wait3A_390 = arith.constant 0 : i32
    %dma_wait3A_391 = tpu.memref_slice %arg3[%dma_wait3A_389, %add3A_272, %dma_wait3A_390] : memref<4x8192x1024xf32, #tpu.memory_space<hbm>> -> memref<1x56x1024xf32, #tpu.memory_space<hbm>>
    %dma_wait3A_392 = tpu.memref_squeeze %dma_wait3A_391 : memref<1x56x1024xf32, #tpu.memory_space<hbm>> -> memref<56x1024xf32, #tpu.memory_space<hbm>>
    %dma_wait3A_393 = arith.constant 0 : i32
    %dma_wait3A_394 = tpu.memref_slice %arg3[%dma_wait3A_389, %add3A_272, %dma_wait3A_393] : memref<4x8192x1024xf32, #tpu.memory_space<hbm>> -> memref<1x56x1024xf32, #tpu.memory_space<hbm>>
    %dma_wait3A_395 = tpu.memref_squeeze %dma_wait3A_394 : memref<1x56x1024xf32, #tpu.memory_space<hbm>> -> memref<56x1024xf32, #tpu.memory_space<hbm>>
    tpu.wait_dma2 semaphore(%arg9 : memref<!tpu.dma_semaphore, #tpu.memory_space<semaphore_mem>>) src(%arg5 : memref<56x1024xf32, #tpu.memory_space<vmem>>) dst(%dma_wait3A_395 : memref<56x1024xf32, #tpu.memory_space<hbm>>)
    %dma_wait3A_396 = arith.constant 3 : i32
    %dma_wait3A_397 = arith.constant 0 : i32
    %dma_wait3A_398 = tpu.memref_slice %arg3[%dma_wait3A_396, %add3A_274, %dma_wait3A_397] : memref<4x8192x1024xf32, #tpu.memory_space<hbm>> -> memref<1x56x1024xf32, #tpu.memory_space<hbm>>
    %dma_wait3A_399 = tpu.memref_squeeze %dma_wait3A_398 : memref<1x56x1024xf32, #tpu.memory_space<hbm>> -> memref<56x1024xf32, #tpu.memory_space<hbm>>
    %dma_wait3A_400 = arith.constant 0 : i32
    %dma_wait3A_401 = tpu.memref_slice %arg3[%dma_wait3A_396, %add3A_274, %dma_wait3A_400] : memref<4x8192x1024xf32, #tpu.memory_space<hbm>> -> memref<1x56x1024xf32, #tpu.memory_space<hbm>>
    %dma_wait3A_402 = tpu.memref_squeeze %dma_wait3A_401 : memref<1x56x1024xf32, #tpu.memory_space<hbm>> -> memref<56x1024xf32, #tpu.memory_space<hbm>>
    tpu.wait_dma2 semaphore(%arg9 : memref<!tpu.dma_semaphore, #tpu.memory_space<semaphore_mem>>) src(%arg5 : memref<56x1024xf32, #tpu.memory_space<vmem>>) dst(%dma_wait3A_402 : memref<56x1024xf32, #tpu.memory_space<hbm>>)
    %dma_wait3A_403 = arith.constant 0 : i32
    %dma_wait3A_404 = arith.constant 0 : i32
    %dma_wait3A_405 = tpu.memref_slice %arg3[%dma_wait3A_403, %add3A_340, %dma_wait3A_404] : memref<4x8192x1024xf32, #tpu.memory_space<hbm>> -> memref<1x56x1024xf32, #tpu.memory_space<hbm>>
    %dma_wait3A_406 = tpu.memref_squeeze %dma_wait3A_405 : memref<1x56x1024xf32, #tpu.memory_space<hbm>> -> memref<56x1024xf32, #tpu.memory_space<hbm>>
    %dma_wait3A_407 = arith.constant 0 : i32
    %dma_wait3A_408 = tpu.memref_slice %arg3[%dma_wait3A_403, %add3A_340, %dma_wait3A_407] : memref<4x8192x1024xf32, #tpu.memory_space<hbm>> -> memref<1x56x1024xf32, #tpu.memory_space<hbm>>
    %dma_wait3A_409 = tpu.memref_squeeze %dma_wait3A_408 : memref<1x56x1024xf32, #tpu.memory_space<hbm>> -> memref<56x1024xf32, #tpu.memory_space<hbm>>
    tpu.wait_dma2 semaphore(%arg8 : memref<!tpu.dma_semaphore, #tpu.memory_space<semaphore_mem>>) src(%arg4 : memref<56x1024xf32, #tpu.memory_space<vmem>>) dst(%dma_wait3A_409 : memref<56x1024xf32, #tpu.memory_space<hbm>>)
    %dma_wait3A_410 = arith.constant 1 : i32
    %dma_wait3A_411 = arith.constant 0 : i32
    %dma_wait3A_412 = tpu.memref_slice %arg3[%dma_wait3A_410, %add3A_342, %dma_wait3A_411] : memref<4x8192x1024xf32, #tpu.memory_space<hbm>> -> memref<1x56x1024xf32, #tpu.memory_space<hbm>>
    %dma_wait3A_413 = tpu.memref_squeeze %dma_wait3A_412 : memref<1x56x1024xf32, #tpu.memory_space<hbm>> -> memref<56x1024xf32, #tpu.memory_space<hbm>>
    %dma_wait3A_414 = arith.constant 0 : i32
    %dma_wait3A_415 = tpu.memref_slice %arg3[%dma_wait3A_410, %add3A_342, %dma_wait3A_414] : memref<4x8192x1024xf32, #tpu.memory_space<hbm>> -> memref<1x56x1024xf32, #tpu.memory_space<hbm>>
    %dma_wait3A_416 = tpu.memref_squeeze %dma_wait3A_415 : memref<1x56x1024xf32, #tpu.memory_space<hbm>> -> memref<56x1024xf32, #tpu.memory_space<hbm>>
    tpu.wait_dma2 semaphore(%arg8 : memref<!tpu.dma_semaphore, #tpu.memory_space<semaphore_mem>>) src(%arg4 : memref<56x1024xf32, #tpu.memory_space<vmem>>) dst(%dma_wait3A_416 : memref<56x1024xf32, #tpu.memory_space<hbm>>)
    %dma_wait3A_417 = arith.constant 2 : i32
    %dma_wait3A_418 = arith.constant 0 : i32
    %dma_wait3A_419 = tpu.memref_slice %arg3[%dma_wait3A_417, %add3A_344, %dma_wait3A_418] : memref<4x8192x1024xf32, #tpu.memory_space<hbm>> -> memref<1x56x1024xf32, #tpu.memory_space<hbm>>
    %dma_wait3A_420 = tpu.memref_squeeze %dma_wait3A_419 : memref<1x56x1024xf32, #tpu.memory_space<hbm>> -> memref<56x1024xf32, #tpu.memory_space<hbm>>
    %dma_wait3A_421 = arith.constant 0 : i32
    %dma_wait3A_422 = tpu.memref_slice %arg3[%dma_wait3A_417, %add3A_344, %dma_wait3A_421] : memref<4x8192x1024xf32, #tpu.memory_space<hbm>> -> memref<1x56x1024xf32, #tpu.memory_space<hbm>>
    %dma_wait3A_423 = tpu.memref_squeeze %dma_wait3A_422 : memref<1x56x1024xf32, #tpu.memory_space<hbm>> -> memref<56x1024xf32, #tpu.memory_space<hbm>>
    tpu.wait_dma2 semaphore(%arg8 : memref<!tpu.dma_semaphore, #tpu.memory_space<semaphore_mem>>) src(%arg4 : memref<56x1024xf32, #tpu.memory_space<vmem>>) dst(%dma_wait3A_423 : memref<56x1024xf32, #tpu.memory_space<hbm>>)
    %dma_wait3A_424 = arith.constant 3 : i32
    %dma_wait3A_425 = arith.constant 0 : i32
    %dma_wait3A_426 = tpu.memref_slice %arg3[%dma_wait3A_424, %add3A_346, %dma_wait3A_425] : memref<4x8192x1024xf32, #tpu.memory_space<hbm>> -> memref<1x56x1024xf32, #tpu.memory_space<hbm>>
    %dma_wait3A_427 = tpu.memref_squeeze %dma_wait3A_426 : memref<1x56x1024xf32, #tpu.memory_space<hbm>> -> memref<56x1024xf32, #tpu.memory_space<hbm>>
    %dma_wait3A_428 = arith.constant 0 : i32
    %dma_wait3A_429 = tpu.memref_slice %arg3[%dma_wait3A_424, %add3A_346, %dma_wait3A_428] : memref<4x8192x1024xf32, #tpu.memory_space<hbm>> -> memref<1x56x1024xf32, #tpu.memory_space<hbm>>
    %dma_wait3A_430 = tpu.memref_squeeze %dma_wait3A_429 : memref<1x56x1024xf32, #tpu.memory_space<hbm>> -> memref<56x1024xf32, #tpu.memory_space<hbm>>
    tpu.wait_dma2 semaphore(%arg8 : memref<!tpu.dma_semaphore, #tpu.memory_space<semaphore_mem>>) src(%arg4 : memref<56x1024xf32, #tpu.memory_space<vmem>>) dst(%dma_wait3A_430 : memref<56x1024xf32, #tpu.memory_space<hbm>>)
    return
  }
}

</mosaic_0001>

<sc_bundles>
// kernel: kernel.3.cloned.1.call-start
scs
__scs_entry_jumppad:
0x0: {  	(pc) =	sbr.rel $0x88, $3  }
0x1: {  	(tag) =	ssettag $0x0;
	lr =	simm.s32 $0x1  }
0x2: {  	[smem:$0x3FA0] =	sst lr;
	_ =	strace $0xD0000000  }
0x3: {  	_ = 	snop  }
0x4: {  	_ = 	snop  }
0x5: {  	_ = 	snop  }
0x6: {  	_ = 	snop  }
0x7: {  	_ = 	snop  }
__scs_overlays_trampoline_lowered:
0x8: {  	[smem:$0x3FAF] =	sst s0  }
0x9: {  	[smem:$0x3FB0] =	sst s1  }
0xa: {  	[smem:$0x3FB1] =	sst s2  }
0xb: {  	[smem:$0x3FB2] =	sst s3  }
0xc: {  	[smem:$0x3FB3] =	sst s4  }
0xd: {  	[smem:$0x3FB4] =	sst s5  }
0xe: {  	[smem:$0x3FB5] =	sst s6  }
0xf: {  	[smem:$0x3FB6] =	sst s7  }
0x10: {  	[smem:$0x3FB7] =	sst s8  }
0x11: {  	[smem:$0x3FB8] =	sst s9;
	s0 =	simm.s32 @!p0 $0x0  }
0x12: {  	s1 =	sld [smem:$0x3F9E];
	s0 =	simm.s32 @p0 $0x1  }
0x13: {  	[smem:$0x3FB9] =	sst s0;
	s0 =	simm.s32 @!p1 $0x0  }
0x14: {  	s2 =	sld [smem:$0x3F9D];
	s0 =	simm.s32 @p1 $0x1  }
0x15: {  	[smem:$0x3FBA] =	sst s0;
	s0 =	simm.s32 @!p2 $0x0  }
0x16: {  	s3 =	sld [smem:$0x3FDB];
	s0 =	simm.s32 @p2 $0x1  }
0x17: {  	s4 =	simm.s32 $0x1BF5;
	[smem:$0x3FBC] =	sst s0  }
0x18: {  	s0 =	sld [smem:$0x3F9F];
	_ =	swait.ge [sflag:s4], $0x0  }
0x19: {  	s7 =	sld [smem:$0x3FA0]  }
0x1a: {  	s8 =	sadd.s32 $0xFFFFE003, lr  }
0x1b: {  	s9 =	sadd.s32 $0xFFFFFEF7, lr;
	s5 =	simm.s32 $0xFFFFFFFF;
	p2 =	slt.u32 s8, $0xFFFFF086  }
0x1c: {  	p1 =	slt.u32 s9, $0xF7A;
	s5 =	simm.s32 @!p2 $0x0  }
0x1d: {  	s5 =	simm.s32 @p1 $0x1;
	p0 =	seq.s32 s7, s2  }
0x1e: {  	s7 =	smul.u32 @!p0 $0xF7A, s2;
	p2 =	seq.s32 @!p0 s5, $0x0  }
0x1f: {  	s9 =	smul.u32 $0xF7A, s1;
	s8 =	simm.s32 @!p0 $0x1BF5;
	p2 =	por !p2, p0  }
0x20: {  	[sflag:s8] =	ssyncset.s32 @!p0 $0xFFFFF086;
	s6 =	sadd.s32 @!p0 s3, s7;
	s7 =	simm.s32 @!p0 $0x108  }
0x21: {  	s3 =	sadd.s32 s3, s9;
	s6 =	sadd.s32 @!p0 $0x88, s6;
	s7 =	simm.s32 @p2 $0x1082  }
0x22: {  	[simem:s7], [sflag:s8] =	dma.local @!p0 [hbm:s6], $0xF7A  }
0x23: {  	s9 =	sor.u32 $0xD0000000, s2;
	s6 =	simm.s32 $0x108;
	_ =	swait.ge @!p0 [sflag:s8], $0x0  }
0x24: {  	s3 =	sadd.s32 $0x88, s3;
	s6 =	simm.s32 @!p1 $0x1082;
	[sflag:s4] =	ssyncset.s32 $0xFFFFF086  }
0x25: {  	[simem:s6], [sflag:s4] =	dma.local [hbm:s3], $0xF7A  }
0x26: {  	[smem:$0x3FA0] =	sst s1;
	(tag) =	ssettag s2;
	_ =	strace s9  }
0x27: {  	s1 =	sld [smem:$0x3FB0]  }
0x28: {  	s2 =	sld [smem:$0x3FB1]  }
0x29: {  	s4 =	sld [smem:$0x3FB3]  }
0x2a: {  	p0 =	seq.s32 s5, $0x0;
	s5 =	sld [smem:$0x3FB4]  }
0x2b: {  	s6 =	sld [smem:$0x3FB5]  }
0x2c: {  	s7 =	sld [smem:$0x3FB6]  }
0x2d: {  	s3 =	simm.s32 $0x108;
	s8 =	sld [smem:$0x3FB7]  }
0x2e: {  	s3 =	simm.s32 @!p0 $0x1082;
	s9 =	sld [smem:$0x3FB8]  }
0x2f: {  	lr =	sadd.s32 s0, s3;
	s0 =	sld [smem:$0x3FAF]  }
0x30: {  	s3 =	sld [smem:$0x3FB2]  }
0x31: {  	[smem:$0x3FBB] =	sst s10  }
0x32: {  	s10 =	sld [smem:$0x3FB9];
	_ =	sdelay $0x3  }
0x33: {  	p0 =	seq.s32 s10, $0x1;
	s10 =	sld [smem:$0x3FBB];
	_ =	sdelay $0x3  }
0x34: {  	[smem:$0x3FBB] =	sst s10  }
0x35: {  	s10 =	sld [smem:$0x3FBA];
	_ =	sdelay $0x3  }
0x36: {  	p1 =	seq.s32 s10, $0x1;
	s10 =	sld [smem:$0x3FBB];
	_ =	sdelay $0x3  }
0x37: {  	[smem:$0x3FBB] =	sst s10  }
0x38: {  	s10 =	sld [smem:$0x3FBC]  }
0x39: {  	_ = 	snop;
	(pc) =	sbr.ind lr, $3  }
0x3a: {  	_ = 	snop  }
0x3b: {  	_ = 	snop  }
0x3c: {  	p2 =	seq.s32 s10, $0x1;
	s10 =	sld [smem:$0x3FBB]  }
0x3d: {  	_ =	shalt  }
0x3e: {  	_ =	shalt  }
0x3f: {  	_ =	shalt  }
0x40: {  	_ =	shalt  }
0x41: {  	_ =	shalt  }
0x42: {  	_ =	shalt  }
0x43: {  	_ =	shalt  }
0x44: {  	_ =	shalt  }
0x45: {  	_ =	shalt  }
0x46: {  	_ =	shalt  }
0x47: {  	_ =	shalt  }
0x48: {  	_ =	shalt  }
0x49: {  	_ =	shalt  }
0x4a: {  	_ =	shalt  }
0x4b: {  	_ =	shalt  }
0x4c: {  	_ =	shalt  }
0x4d: {  	_ =	shalt  }
0x4e: {  	_ =	shalt  }
0x4f: {  	_ =	shalt  }
0x50: {  	_ =	shalt  }
0x51: {  	_ =	shalt  }
0x52: {  	_ =	shalt  }
0x53: {  	_ =	shalt  }
0x54: {  	_ =	shalt  }
0x55: {  	_ =	shalt  }
0x56: {  	_ =	shalt  }
0x57: {  	_ =	shalt  }
0x58: {  	_ =	shalt  }
0x59: {  	_ =	shalt  }
0x5a: {  	_ =	shalt  }
0x5b: {  	_ =	shalt  }
0x5c: {  	_ =	shalt  }
0x5d: {  	_ =	shalt  }
0x5e: {  	_ =	shalt  }
0x5f: {  	_ =	shalt  }
0x60: {  	_ =	shalt  }
0x61: {  	_ =	shalt  }
0x62: {  	_ =	shalt  }
0x63: {  	_ =	shalt  }
0x64: {  	_ =	shalt  }
0x65: {  	_ =	shalt  }
0x66: {  	_ =	shalt  }
0x67: {  	_ =	shalt  }
0x68: {  	_ =	shalt  }
0x69: {  	_ =	shalt  }
0x6a: {  	_ =	shalt  }
0x6b: {  	_ =	shalt  }
0x6c: {  	_ =	shalt  }
0x6d: {  	_ =	shalt  }
0x6e: {  	_ =	shalt  }
0x6f: {  	_ =	shalt  }
0x70: {  	_ =	shalt  }
0x71: {  	_ =	shalt  }
0x72: {  	_ =	shalt  }
0x73: {  	_ =	shalt  }
0x74: {  	_ =	shalt  }
0x75: {  	_ =	shalt  }
0x76: {  	_ =	shalt  }
0x77: {  	_ =	shalt  }
0x78: {  	_ =	shalt  }
0x79: {  	_ =	shalt  }
0x7a: {  	_ =	shalt  }
0x7b: {  	_ =	shalt  }
0x7c: {  	_ =	shalt  }
0x7d: {  	_ =	shalt  }
0x7e: {  	_ =	shalt  }
0x7f: {  	_ =	shalt  }
0x80: {  	_ =	shalt  }
0x81: {  	_ =	shalt  }
0x82: {  	_ =	shalt  }
0x83: {  	_ =	shalt  }
0x84: {  	_ =	shalt  }
0x85: {  	_ =	shalt  }
0x86: {  	_ =	shalt  }
0x87: {  	_ =	shalt  }
.Lfunc_end0:
.L_simem_size_0:
called_computation_lowered:
.L_overlay_start_0:
0x88: {  	s2 =	sld [smem:$0x3FD9]  }
0x89: {  	s3 =	sld [smem:$0x3FFE];
	_ =	sdelay $0x1  }
0x8a: {  	s1 =	srdreg.scid  }
0x8b: {  	s0 =	sand.u32 $0x1, s1  }
0x8c: {  	s18 =	sshll.u32 s0, $0xA;
	s2 =	sadd.s32 s3, s2  }
0x8d: {  	s2 =	sadd.s32 s2, s18  }
0x8e: {  	[smem:$0x3FC7] =	sst s2  }
0x8f: {  	_ = 	snop  }
0x90: {  	s2 =	sld [smem:$0x3FC9]  }
0x91: {  	s19 =	sld [smem:$0x3FD0];
	(tm) =	ssettm $0x1  }
0x92: {  	s4 =	sld [smem:$0x3FFB];
	_ =	sdelay $0x3  }
0x93: {  	_ =	strace s4  }
0x94: {  	s4 =	sld [smem:$0x3FFC];
	_ =	sdelay $0x3  }
0x95: {  	_ =	strace s4  }
0x96: {  	s4 =	sld [smem:$0x3FFD];
	_ =	sdelay $0x3  }
0x97: {  	_ =	strace s4  }
0x98: {  	_ =	strace $0x8FFFFFFF  }
0x99: {  	s20 =	sld [smem:$0x3FDB];
	_ =	sdelay $0x1  }
0x9a: {  	s5 =	simm.s32 $_scs_section_size  }
0x9b: {  	s6 =	simm.s32 $_size__tile_overlayer_lowered;
	s7 =	simm.s32 $_tile_overlayer_lowered  }
0x9c: {  	s23 =	simm.s32 $0x1BFF;
	s22 =	sshll.u32 s7, $0x1;
	s4 =	sadd.s32 s5, s20  }
0x9d: {  	s8 =	simm.s32 $0x0;
	s21 =	sshll.u32 s6, $0x1;
	s6 =	sadd.s32 s22, s4  }
0x9e: {  	[timem:s8], [sflag:s23] =	dma.local [hbm:s6], s21  }
0x9f: {  	_ =	swait.ge [sflag:s23], s21  }
0xa0: {  	s5 =	ssub.s32 $0x0, s21;
	[sflag:s23] =	ssyncset.done $0x0  }
0xa1: {  	[sflag:s23] =	ssyncadd.s32 s5;
	_ =	sdelay $0x1  }
0xa2: {  	s24 =	simm.s32 $0x1B8B  }
0xa3: {  	_ =	swait.ge [sflag:s24], $0x1  }
0xa4: {  	[sflag:s24] =	ssyncset.done $0x0  }
0xa5: {  	s25 =	simm.s32 $0x1B8E;
	[sflag:s24] =	ssyncadd.s32 $0xFFFFFFFF  }
0xa6: {  	s26 =	simm.s32 $execute0_lowered;
	[smem:$0x3FD2] =	sst s25  }
0xa7: {  	s5 =	sshll.u32 s26, $0x1;
	_ =	strace $0x80000046;
	[dreg:$0x1] =	wrdreg $0xFFFFFFFF  }
0xa8: {  	s28 =	simm.s32 $_size_execute0_lowered;
	s4 =	sadd.s32 s4, s5;
	[dreg:$0x0] =	wrdreg $0x0  }
0xa9: {  	s5 =	sshll.u32 s28, $0x1;
	[dreg:$0x2] =	wrdreg s4  }
0xaa: {  	[dreg:$0x3] =	wrdreg s5  }
0xab: {  	[dreg:$0x4] =	wrdreg $0xC0  }
0xac: {  	_ =	task [dreg:s8], $0x5FFFF  }
0xad: {  	[dreg:$0x1] =	wrdreg $0xFFFFFFFF  }
0xae: {  	[dreg:$0x0] =	wrdreg $0x60  }
0xaf: {  	[dreg:$0x2] =	wrdreg s2  }
0xb0: {  	[dreg:$0x3] =	wrdreg s19  }
0xb1: {  	[dreg:$0x4] =	wrdreg $0x9  }
0xb2: {  	_ =	task.clear_ibuf [dreg:s8], $0x5FFFF;
	_ =	strace $0x90000046  }
0xb3: {  	s29 =	simm.s32 $0x9;
	_ =	strace $0x80000048  }
0xb4: {  	_ =	swait.ge [sflag:s29], $0x1  }
0xb5: {  	[sflag:s29] =	ssyncadd.s32 $0xFFFFFFFF  }
0xb6: {  	_ =	strace $0x90000048  }
0xb7: {  	_ =	sfence  }
0xb8: {  	s30 =	sld [smem:$0x0];
	_ =	sdelay $0x2  }
0xb9: {  	s31 =	sshll.u32 s1, $0xD;
	s1 =	sshrl.u32 s1, $0x2  }
0xba: {  	s3 =	sand.u32 $0x4000, s31;
	s1 =	sadd.s32 s1, s30  }
0xbb: {  	s0 =	sor.u32 s3, s0;
	s1 =	sshll.u32 s1, $0x11  }
0xbc: {  	s0 =	sor.u32 s1, s0  }
0xbd: {  	s0 =	sadd.s32 $0x8F2B, s0  }
0xbe: {  	[sflag:s0] =	ssyncadd.remote.s32 $0x1  }
0xbf: {  	_ =	sfence.sel $0xFFFF  }
0xc0: {  	[dreg:$0x0] =	wrdreg $0xFFFFFFFF;
	(pc) =	sbr.abs _section_cstart, $3  }
0xc1: {  	[dreg:$0x1] =	wrdreg $0xFFFFFFFF  }
0xc2: {  	_ =	task.clear_ibuf [dreg:s8], $0x2FFFF;
	_ =	strace $0x9FFFFFFF  }
0xc3: {  	(tm) =	ssettm $0x7FFFFFFF  }
tec
execute0_lowered:
.L_overlay_start_1:
0x0: {  	(tag) =	ssettag $0x1  }
0x1: {  	s0 =	rddreg [dreg:$0x0]  }
0x2: {  	s1 =	rddreg [dreg:$0x1]  }
0x3: {  	s3 =	srdreg.scid;
	s2 =	simm.s32 $0x0;
	s4 =	stileid.u32  }
0x4: {  	p0 =	por $0x0, $0x0;
	s10 =	simm.s32 $0x1;
	s3 =	sand.u32 $0x1, s3  }
0x5: {  	[smem:$0x7FF] =	sst s2;
	s4 =	sshll.u32 s4, $0x10;
	s5 =	sshll.u32 s3, $0xF  }
0x6: {  	_ =	strace $0x80000047;
	s3 =	ssub.s32 $0x2, s3;
	s4 =	sor.u32 s5, s4  }
0x7: {  	s6 =	sshrl.u32 s3, $0x1;
	s5 =	sadd.s32 s0, s4;
	s23 =	sadd.s32 s1, s4  }
0x8: {  	s3 =	ssub.s32 s3, s6;
	s14 =	sor.u32 $0x1000, s4;
	s15 =	sor.u32 $0x2C00, s4  }
0x9: {  	s16 =	sor.u32 $0x4800, s4;
	s4 =	sor.u32 $0x6400, s4;
	[dreg:$0x3] =	wrdreg s5  }
0xa: {  	s13 =	sadd.s32 $0x100000, s23;
	s29 =	sadd.s32 $0x200000, s23;
	s30 =	sadd.s32 $0x300000, s23  }
0xb: {  	s31 =	sadd.s32 s0, s14;
	s24 =	sadd.s32 s1, s14;
	s25 =	sadd.s32 $0x101000, s23  }
0xc: {  	s26 =	sadd.s32 $0x201000, s23;
	s28 =	sadd.s32 $0x301000, s23;
	s21 =	sadd.s32 s0, s15  }
0xd: {  	s17 =	sadd.s32 $0x102C00, s23;
	s18 =	sadd.s32 $0x202C00, s23;
	s20 =	sadd.s32 s1, s15  }
0xe: {  	s19 =	sadd.s32 $0x302C00, s23;
	s15 =	sadd.s32 s0, s16;
	s22 =	smax.u32 s3, $0x1  }
0xf: {  	s11 =	sadd.s32 $0x104800, s23;
	s12 =	sadd.s32 $0x204800, s23;
	p1 =	sne.s32 s22, $0x1  }
.Ltmp0:
0x10: {  	s14 =	sadd.s32 s1, s16;
	s8 =	sadd.s32 s0, s4;
	(pc) =	sbr.rel @!p1 .LBB2_3-.Ltmp0, $4  }
0x11: {  	s5 =	sadd.s32 s1, s4;
	s6 =	sadd.s32 $0x106400, s23;
	s7 =	sadd.s32 $0x206400, s23  }
0x12: {  	s9 =	sadd.s32 $0x306400, s23;
	s16 =	simm.s32 $0xE000;
	s3 =	simm.s32 $0x3  }
0x13: {  	s4 =	simm.s32 $0x4;
	[dreg:$0x4] =	wrdreg s13;
	s13 =	sadd.s32 $0x304800, s23  }
0x14: {  	s0 =	sadd.s32 $0xFFFFFFFF, s22;
	s22 =	simm.s32 $0x2;
	s1 =	rddreg [dreg:$0x3]  }
0x15: {  	[tilespmem:s2], [sflag:$0x1] =	stream.linear.gather [hbm4b:s1+s2], $0x8000, $0x38;
	[tilespmem:$0x1C000] =	vst v63  }
0x16: {  	_ =	swait.ge [sflag:s10], $0x8000  }
0x17: {  	[sflag:s10] =	ssyncset.done $0x0  }
0x18: {  	[sflag:s10] =	ssyncadd.s32 $0xFFFF8000  }
0x19: {  	[hbm4b:s23+s2] =	stream.linear.scatter [tilespmem:s2], [sflag:$0x3], $0x8000, $0x38;
	[tilespmem:$0x1C000] =	vst v63  }
0x1a: {  	s1 =	rddreg [dreg:$0x4]  }
0x1b: {  	[hbm4b:s1+s2] =	stream.linear.scatter [tilespmem:s2], [sflag:$0x3], $0x8000, $0x38;
	[tilespmem:$0x1C000] =	vst v63  }
0x1c: {  	_ = 	snop  }
0x1d: {  	[hbm4b:s29+s2] =	stream.linear.scatter [tilespmem:s2], [sflag:$0x3], $0x8000, $0x38;
	[tilespmem:$0x1C000] =	vst v63  }
0x1e: {  	_ = 	snop  }
0x1f: {  	[hbm4b:s30+s2] =	stream.linear.scatter [tilespmem:s2], [sflag:$0x3], $0x8000, $0x38;
	[tilespmem:$0x1C000] =	vst v63  }
0x20: {  	_ = 	snop  }
0x21: {  	[tilespmem:s16], [sflag:$0x2] =	stream.linear.gather [hbm4b:s31+s2], $0xE000, $0x38;
	[tilespmem:$0x1C000] =	vst v63  }
0x22: {  	_ =	swait.ge [sflag:s22], $0xE000  }
0x23: {  	[sflag:s22] =	ssyncset.done $0x0  }
0x24: {  	[sflag:s22] =	ssyncadd.s32 $0xFFFF2000  }
0x25: {  	[hbm4b:s24+s2] =	stream.linear.scatter [tilespmem:s16], [sflag:$0x4], $0xE000, $0x38;
	[tilespmem:$0x1C000] =	vst v63  }
0x26: {  	_ = 	snop  }
0x27: {  	[hbm4b:s25+s2] =	stream.linear.scatter [tilespmem:s16], [sflag:$0x4], $0xE000, $0x38;
	[tilespmem:$0x1C000] =	vst v63  }
0x28: {  	_ = 	snop  }
0x29: {  	[hbm4b:s26+s2] =	stream.linear.scatter [tilespmem:s16], [sflag:$0x4], $0xE000, $0x38;
	[tilespmem:$0x1C000] =	vst v63  }
0x2a: {  	_ = 	snop  }
0x2b: {  	[hbm4b:s28+s2] =	stream.linear.scatter [tilespmem:s16], [sflag:$0x4], $0xE000, $0x38;
	[tilespmem:$0x1C000] =	vst v63  }
0x2c: {  	_ =	swait.ge [sflag:s3], $0x8000  }
0x2d: {  	[sflag:s3] =	ssyncset.done $0x0  }
0x2e: {  	[sflag:s3] =	ssyncadd.s32 $0xFFFF8000  }
0x2f: {  	_ =	swait.ge [sflag:s3], $0x8000  }
0x30: {  	[sflag:s3] =	ssyncset.done $0x0  }
0x31: {  	[sflag:s3] =	ssyncadd.s32 $0xFFFF8000  }
0x32: {  	_ =	swait.ge [sflag:s3], $0x8000  }
0x33: {  	[sflag:s3] =	ssyncset.done $0x0  }
0x34: {  	[sflag:s3] =	ssyncadd.s32 $0xFFFF8000  }
0x35: {  	_ =	swait.ge [sflag:s3], $0x8000  }
0x36: {  	[sflag:s3] =	ssyncset.done $0x0  }
0x37: {  	[sflag:s3] =	ssyncadd.s32 $0xFFFF8000  }
0x38: {  	[tilespmem:s2], [sflag:$0x1] =	stream.linear.gather [hbm4b:s21+s2], $0xE000, $0x38;
	[tilespmem:$0x1C000] =	vst v63  }
0x39: {  	_ =	swait.ge [sflag:s10], $0xE000  }
0x3a: {  	[sflag:s10] =	ssyncset.done $0x0  }
0x3b: {  	[sflag:s10] =	ssyncadd.s32 $0xFFFF2000  }
0x3c: {  	[hbm4b:s20+s2] =	stream.linear.scatter [tilespmem:s2], [sflag:$0x3], $0xE000, $0x38;
	[tilespmem:$0x1C000] =	vst v63  }
0x3d: {  	_ = 	snop  }
0x3e: {  	[hbm4b:s17+s2] =	stream.linear.scatter [tilespmem:s2], [sflag:$0x3], $0xE000, $0x38;
	[tilespmem:$0x1C000] =	vst v63  }
0x3f: {  	_ = 	snop  }
0x40: {  	[hbm4b:s18+s2] =	stream.linear.scatter [tilespmem:s2], [sflag:$0x3], $0xE000, $0x38;
	[tilespmem:$0x1C000] =	vst v63  }
0x41: {  	_ = 	snop  }
0x42: {  	[hbm4b:s19+s2] =	stream.linear.scatter [tilespmem:s2], [sflag:$0x3], $0xE000, $0x38;
	[tilespmem:$0x1C000] =	vst v63  }
0x43: {  	_ =	swait.ge [sflag:s4], $0xE000  }
0x44: {  	[sflag:s4] =	ssyncset.done $0x0  }
0x45: {  	[sflag:s4] =	ssyncadd.s32 $0xFFFF2000  }
0x46: {  	_ =	swait.ge [sflag:s4], $0xE000  }
0x47: {  	[sflag:s4] =	ssyncset.done $0x0  }
0x48: {  	[sflag:s4] =	ssyncadd.s32 $0xFFFF2000  }
0x49: {  	_ =	swait.ge [sflag:s4], $0xE000  }
0x4a: {  	[sflag:s4] =	ssyncset.done $0x0  }
0x4b: {  	[sflag:s4] =	ssyncadd.s32 $0xFFFF2000  }
0x4c: {  	_ =	swait.ge [sflag:s4], $0xE000  }
0x4d: {  	[sflag:s4] =	ssyncset.done $0x0  }
0x4e: {  	[sflag:s4] =	ssyncadd.s32 $0xFFFF2000  }
0x4f: {  	[tilespmem:s16], [sflag:$0x2] =	stream.linear.gather [hbm4b:s15+s2], $0xE000, $0x38;
	[tilespmem:$0x1C000] =	vst v63  }
0x50: {  	_ =	swait.ge [sflag:s22], $0xE000  }
0x51: {  	[sflag:s22] =	ssyncset.done $0x0  }
0x52: {  	[sflag:s22] =	ssyncadd.s32 $0xFFFF2000  }
0x53: {  	[hbm4b:s14+s2] =	stream.linear.scatter [tilespmem:s16], [sflag:$0x4], $0xE000, $0x38;
	[tilespmem:$0x1C000] =	vst v63  }
0x54: {  	_ = 	snop  }
0x55: {  	[hbm4b:s11+s2] =	stream.linear.scatter [tilespmem:s16], [sflag:$0x4], $0xE000, $0x38;
	[tilespmem:$0x1C000] =	vst v63  }
0x56: {  	_ = 	snop  }
0x57: {  	[hbm4b:s12+s2] =	stream.linear.scatter [tilespmem:s16], [sflag:$0x4], $0xE000, $0x38;
	[tilespmem:$0x1C000] =	vst v63  }
0x58: {  	_ = 	snop  }
0x59: {  	[hbm4b:s13+s2] =	stream.linear.scatter [tilespmem:s16], [sflag:$0x4], $0xE000, $0x38;
	[tilespmem:$0x1C000] =	vst v63  }
0x5a: {  	_ =	swait.ge [sflag:s3], $0xE000  }
0x5b: {  	[sflag:s3] =	ssyncset.done $0x0  }
0x5c: {  	[sflag:s3] =	ssyncadd.s32 $0xFFFF2000  }
0x5d: {  	_ =	swait.ge [sflag:s3], $0xE000  }
0x5e: {  	[sflag:s3] =	ssyncset.done $0x0  }
0x5f: {  	[sflag:s3] =	ssyncadd.s32 $0xFFFF2000  }
0x60: {  	_ =	swait.ge [sflag:s3], $0xE000  }
0x61: {  	[sflag:s3] =	ssyncset.done $0x0  }
0x62: {  	[sflag:s3] =	ssyncadd.s32 $0xFFFF2000  }
0x63: {  	_ =	swait.ge [sflag:s3], $0xE000  }
0x64: {  	[sflag:s3] =	ssyncset.done $0x0  }
0x65: {  	[sflag:s3] =	ssyncadd.s32 $0xFFFF2000  }
0x66: {  	[tilespmem:s2], [sflag:$0x1] =	stream.linear.gather [hbm4b:s8+s2], $0xE000, $0x38;
	[tilespmem:$0x1C000] =	vst v63  }
0x67: {  	_ =	swait.ge [sflag:s10], $0xE000  }
0x68: {  	[sflag:s10] =	ssyncset.done $0x0  }
0x69: {  	[sflag:s10] =	ssyncadd.s32 $0xFFFF2000  }
0x6a: {  	[hbm4b:s5+s2] =	stream.linear.scatter [tilespmem:s2], [sflag:$0x3], $0xE000, $0x38;
	[tilespmem:$0x1C000] =	vst v63  }
0x6b: {  	_ = 	snop  }
0x6c: {  	[hbm4b:s6+s2] =	stream.linear.scatter [tilespmem:s2], [sflag:$0x3], $0xE000, $0x38;
	[tilespmem:$0x1C000] =	vst v63  }
0x6d: {  	_ = 	snop  }
0x6e: {  	[hbm4b:s7+s2] =	stream.linear.scatter [tilespmem:s2], [sflag:$0x3], $0xE000, $0x38;
	[tilespmem:$0x1C000] =	vst v63  }
0x6f: {  	_ = 	snop  }
0x70: {  	[hbm4b:s9+s2] =	stream.linear.scatter [tilespmem:s2], [sflag:$0x3], $0xE000, $0x38;
	[tilespmem:$0x1C000] =	vst v63  }
0x71: {  	_ =	swait.ge [sflag:s4], $0xE000  }
0x72: {  	[sflag:s4] =	ssyncset.done $0x0  }
0x73: {  	[sflag:s4] =	ssyncadd.s32 $0xFFFF2000  }
0x74: {  	_ =	swait.ge [sflag:s4], $0xE000  }
0x75: {  	[sflag:s4] =	ssyncset.done $0x0  }
0x76: {  	[sflag:s4] =	ssyncadd.s32 $0xFFFF2000  }
0x77: {  	_ =	swait.ge [sflag:s4], $0xE000  }
0x78: {  	[sflag:s4] =	ssyncset.done $0x0  }
0x79: {  	[sflag:s4] =	ssyncadd.s32 $0xFFFF2000  }
0x7a: {  	_ =	swait.ge [sflag:s4], $0xE000  }
0x7b: {  	[sflag:s4] =	ssyncset.done $0x0  }
0x7c: {  	[sflag:s4] =	ssyncadd.s32 $0xFFFF2000  }
0x7d: {  	_ =	swait.ge [sflag:s3], $0xE000  }
0x7e: {  	[sflag:s3] =	ssyncset.done $0x0  }
0x7f: {  	[sflag:s3] =	ssyncadd.s32 $0xFFFF2000  }
0x80: {  	_ =	swait.ge [sflag:s3], $0xE000  }
0x81: {  	[sflag:s3] =	ssyncset.done $0x0  }
0x82: {  	p1 =	sne.s32 s0, $0x1;
	[sflag:s3] =	ssyncadd.s32 $0xFFFF2000  }
.Ltmp1:
0x83: {  	_ =	swait.ge [sflag:s3], $0xE000;
	(pc) =	sbr.rel @!p1 .LBB2_3-.Ltmp1, $4  }
0x84: {  	[sflag:s3] =	ssyncset.done $0x0  }
0x85: {  	[sflag:s3] =	ssyncadd.s32 $0xFFFF2000  }
0x86: {  	s0 =	sadd.s32 $0xFFFFFFFF, s0;
	_ =	swait.ge [sflag:s3], $0xE000  }
0x87: {  	p0 =	por $0x1, $0x1;
	s1 =	rddreg [dreg:$0x3];
	[sflag:s3] =	ssyncset.done $0x0  }
.LBB2_2:
0x88: {  	[sflag:s3] =	ssyncadd.s32 $0xFFFF2000  }
0x89: {  	[tilespmem:s2], [sflag:$0x1] =	stream.linear.gather [hbm4b:s1+s2], $0x8000, $0x38;
	[tilespmem:$0x1C000] =	vst v63  }
0x8a: {  	_ =	swait.ge [sflag:s10], $0x8000  }
0x8b: {  	[sflag:s10] =	ssyncset.done $0x0  }
0x8c: {  	[sflag:s10] =	ssyncadd.s32 $0xFFFF8000  }
0x8d: {  	[hbm4b:s23+s2] =	stream.linear.scatter [tilespmem:s2], [sflag:$0x3], $0x8000, $0x38;
	[tilespmem:$0x1C000] =	vst v63  }
0x8e: {  	s1 =	rddreg [dreg:$0x4]  }
0x8f: {  	[hbm4b:s1+s2] =	stream.linear.scatter [tilespmem:s2], [sflag:$0x3], $0x8000, $0x38;
	[tilespmem:$0x1C000] =	vst v63  }
0x90: {  	_ = 	snop  }
0x91: {  	[hbm4b:s29+s2] =	stream.linear.scatter [tilespmem:s2], [sflag:$0x3], $0x8000, $0x38;
	[tilespmem:$0x1C000] =	vst v63  }
0x92: {  	_ = 	snop  }
0x93: {  	[hbm4b:s30+s2] =	stream.linear.scatter [tilespmem:s2], [sflag:$0x3], $0x8000, $0x38;
	[tilespmem:$0x1C000] =	vst v63  }
0x94: {  	_ = 	snop  }
0x95: {  	[tilespmem:s16], [sflag:$0x2] =	stream.linear.gather [hbm4b:s31+s2], $0xE000, $0x38;
	[tilespmem:$0x1C000] =	vst v63  }
0x96: {  	_ =	swait.ge [sflag:s22], $0xE000  }
0x97: {  	[sflag:s22] =	ssyncset.done $0x0  }
0x98: {  	[sflag:s22] =	ssyncadd.s32 $0xFFFF2000  }
0x99: {  	[hbm4b:s24+s2] =	stream.linear.scatter [tilespmem:s16], [sflag:$0x4], $0xE000, $0x38;
	[tilespmem:$0x1C000] =	vst v63  }
0x9a: {  	_ = 	snop  }
0x9b: {  	[hbm4b:s25+s2] =	stream.linear.scatter [tilespmem:s16], [sflag:$0x4], $0xE000, $0x38;
	[tilespmem:$0x1C000] =	vst v63  }
0x9c: {  	_ = 	snop  }
0x9d: {  	[hbm4b:s26+s2] =	stream.linear.scatter [tilespmem:s16], [sflag:$0x4], $0xE000, $0x38;
	[tilespmem:$0x1C000] =	vst v63  }
0x9e: {  	_ = 	snop  }
0x9f: {  	[hbm4b:s28+s2] =	stream.linear.scatter [tilespmem:s16], [sflag:$0x4], $0xE000, $0x38;
	[tilespmem:$0x1C000] =	vst v63  }
0xa0: {  	_ =	swait.ge [sflag:s3], $0x8000  }
0xa1: {  	[sflag:s3] =	ssyncset.done $0x0  }
0xa2: {  	[sflag:s3] =	ssyncadd.s32 $0xFFFF8000  }
0xa3: {  	_ =	swait.ge [sflag:s3], $0x8000  }
0xa4: {  	[sflag:s3] =	ssyncset.done $0x0  }
0xa5: {  	[sflag:s3] =	ssyncadd.s32 $0xFFFF8000  }
0xa6: {  	_ =	swait.ge [sflag:s3], $0x8000  }
0xa7: {  	[sflag:s3] =	ssyncset.done $0x0  }
0xa8: {  	[sflag:s3] =	ssyncadd.s32 $0xFFFF8000  }
0xa9: {  	_ =	swait.ge [sflag:s3], $0x8000  }
0xaa: {  	[sflag:s3] =	ssyncset.done $0x0  }
0xab: {  	[sflag:s3] =	ssyncadd.s32 $0xFFFF8000  }
0xac: {  	[tilespmem:s2], [sflag:$0x1] =	stream.linear.gather [hbm4b:s21+s2], $0xE000, $0x38;
	[tilespmem:$0x1C000] =	vst v63  }
0xad: {  	_ =	swait.ge [sflag:s10], $0xE000  }
0xae: {  	[sflag:s10] =	ssyncset.done $0x0  }
0xaf: {  	[sflag:s10] =	ssyncadd.s32 $0xFFFF2000  }
0xb0: {  	[hbm4b:s20+s2] =	stream.linear.scatter [tilespmem:s2], [sflag:$0x3], $0xE000, $0x38;
	[tilespmem:$0x1C000] =	vst v63  }
0xb1: {  	_ = 	snop  }
0xb2: {  	[hbm4b:s17+s2] =	stream.linear.scatter [tilespmem:s2], [sflag:$0x3], $0xE000, $0x38;
	[tilespmem:$0x1C000] =	vst v63  }
0xb3: {  	_ = 	snop  }
0xb4: {  	[hbm4b:s18+s2] =	stream.linear.scatter [tilespmem:s2], [sflag:$0x3], $0xE000, $0x38;
	[tilespmem:$0x1C000] =	vst v63  }
0xb5: {  	_ = 	snop  }
0xb6: {  	[hbm4b:s19+s2] =	stream.linear.scatter [tilespmem:s2], [sflag:$0x3], $0xE000, $0x38;
	[tilespmem:$0x1C000] =	vst v63  }
0xb7: {  	_ =	swait.ge [sflag:s4], $0xE000  }
0xb8: {  	[sflag:s4] =	ssyncset.done $0x0  }
0xb9: {  	[sflag:s4] =	ssyncadd.s32 $0xFFFF2000  }
0xba: {  	_ =	swait.ge [sflag:s4], $0xE000  }
0xbb: {  	[sflag:s4] =	ssyncset.done $0x0  }
0xbc: {  	[sflag:s4] =	ssyncadd.s32 $0xFFFF2000  }
0xbd: {  	_ =	swait.ge [sflag:s4], $0xE000  }
0xbe: {  	[sflag:s4] =	ssyncset.done $0x0  }
0xbf: {  	[sflag:s4] =	ssyncadd.s32 $0xFFFF2000  }
0xc0: {  	_ =	swait.ge [sflag:s4], $0xE000  }
0xc1: {  	[sflag:s4] =	ssyncset.done $0x0  }
0xc2: {  	[sflag:s4] =	ssyncadd.s32 $0xFFFF2000  }
0xc3: {  	[tilespmem:s16], [sflag:$0x2] =	stream.linear.gather [hbm4b:s15+s2], $0xE000, $0x38;
	[tilespmem:$0x1C000] =	vst v63  }
0xc4: {  	_ =	swait.ge [sflag:s22], $0xE000  }
0xc5: {  	[sflag:s22] =	ssyncset.done $0x0  }
0xc6: {  	[sflag:s22] =	ssyncadd.s32 $0xFFFF2000  }
0xc7: {  	[hbm4b:s14+s2] =	stream.linear.scatter [tilespmem:s16], [sflag:$0x4], $0xE000, $0x38;
	[tilespmem:$0x1C000] =	vst v63  }
0xc8: {  	_ = 	snop  }
0xc9: {  	[hbm4b:s11+s2] =	stream.linear.scatter [tilespmem:s16], [sflag:$0x4], $0xE000, $0x38;
	[tilespmem:$0x1C000] =	vst v63  }
0xca: {  	_ = 	snop  }
0xcb: {  	[hbm4b:s12+s2] =	stream.linear.scatter [tilespmem:s16], [sflag:$0x4], $0xE000, $0x38;
	[tilespmem:$0x1C000] =	vst v63  }
0xcc: {  	_ = 	snop  }
0xcd: {  	[hbm4b:s13+s2] =	stream.linear.scatter [tilespmem:s16], [sflag:$0x4], $0xE000, $0x38;
	[tilespmem:$0x1C000] =	vst v63  }
0xce: {  	_ =	swait.ge [sflag:s3], $0xE000  }
0xcf: {  	[sflag:s3] =	ssyncset.done $0x0  }
0xd0: {  	[sflag:s3] =	ssyncadd.s32 $0xFFFF2000  }
0xd1: {  	_ =	swait.ge [sflag:s3], $0xE000  }
0xd2: {  	[sflag:s3] =	ssyncset.done $0x0  }
0xd3: {  	[sflag:s3] =	ssyncadd.s32 $0xFFFF2000  }
0xd4: {  	_ =	swait.ge [sflag:s3], $0xE000  }
0xd5: {  	[sflag:s3] =	ssyncset.done $0x0  }
0xd6: {  	[sflag:s3] =	ssyncadd.s32 $0xFFFF2000  }
0xd7: {  	_ =	swait.ge [sflag:s3], $0xE000  }
0xd8: {  	[sflag:s3] =	ssyncset.done $0x0  }
0xd9: {  	[sflag:s3] =	ssyncadd.s32 $0xFFFF2000  }
0xda: {  	[tilespmem:s2], [sflag:$0x1] =	stream.linear.gather [hbm4b:s8+s2], $0xE000, $0x38;
	[tilespmem:$0x1C000] =	vst v63  }
0xdb: {  	_ =	swait.ge [sflag:s10], $0xE000  }
0xdc: {  	[sflag:s10] =	ssyncset.done $0x0  }
0xdd: {  	[sflag:s10] =	ssyncadd.s32 $0xFFFF2000  }
0xde: {  	[hbm4b:s5+s2] =	stream.linear.scatter [tilespmem:s2], [sflag:$0x3], $0xE000, $0x38;
	[tilespmem:$0x1C000] =	vst v63  }
0xdf: {  	_ = 	snop  }
0xe0: {  	[hbm4b:s6+s2] =	stream.linear.scatter [tilespmem:s2], [sflag:$0x3], $0xE000, $0x38;
	[tilespmem:$0x1C000] =	vst v63  }
0xe1: {  	_ = 	snop  }
0xe2: {  	[hbm4b:s7+s2] =	stream.linear.scatter [tilespmem:s2], [sflag:$0x3], $0xE000, $0x38;
	[tilespmem:$0x1C000] =	vst v63  }
0xe3: {  	_ = 	snop  }
0xe4: {  	[hbm4b:s9+s2] =	stream.linear.scatter [tilespmem:s2], [sflag:$0x3], $0xE000, $0x38;
	[tilespmem:$0x1C000] =	vst v63  }
0xe5: {  	_ =	swait.ge [sflag:s4], $0xE000  }
0xe6: {  	[sflag:s4] =	ssyncset.done $0x0  }
0xe7: {  	[sflag:s4] =	ssyncadd.s32 $0xFFFF2000  }
0xe8: {  	_ =	swait.ge [sflag:s4], $0xE000  }
0xe9: {  	[sflag:s4] =	ssyncset.done $0x0  }
0xea: {  	[sflag:s4] =	ssyncadd.s32 $0xFFFF2000  }
0xeb: {  	_ =	swait.ge [sflag:s4], $0xE000  }
0xec: {  	[sflag:s4] =	ssyncset.done $0x0  }
0xed: {  	[sflag:s4] =	ssyncadd.s32 $0xFFFF2000  }
0xee: {  	_ =	swait.ge [sflag:s4], $0xE000  }
0xef: {  	[sflag:s4] =	ssyncset.done $0x0  }
0xf0: {  	[sflag:s4] =	ssyncadd.s32 $0xFFFF2000  }
0xf1: {  	_ =	swait.ge [sflag:s3], $0xE000  }
0xf2: {  	[sflag:s3] =	ssyncset.done $0x0  }
0xf3: {  	[sflag:s3] =	ssyncadd.s32 $0xFFFF2000  }
0xf4: {  	_ =	swait.ge [sflag:s3], $0xE000  }
0xf5: {  	[sflag:s3] =	ssyncset.done $0x0  }
0xf6: {  	p1 =	sne.s32 s0, $0x1;
	[sflag:s3] =	ssyncadd.s32 $0xFFFF2000  }
.Ltmp2:
0xf7: {  	_ =	swait.ge [sflag:s3], $0xE000;
	(pc) =	sbr.rel @p1 .LBB2_2-.Ltmp2, $4  }
0xf8: {  	[sflag:s3] =	ssyncset.done $0x0  }
0xf9: {  	[sflag:s3] =	ssyncadd.s32 $0xFFFF2000  }
0xfa: {  	_ =	swait.ge [sflag:s3], $0xE000  }
0xfb: {  	s0 =	sadd.s32 $0xFFFFFFFF, s0;
	s1 =	rddreg [dreg:$0x3];
	[sflag:s3] =	ssyncset.done $0x0  }
.LBB2_3:
0xfc: {  	[sflag:s3] =	ssyncadd.s32 @p0 $0xFFFF2000  }
0xfd: {  	[tilespmem:s2], [sflag:$0x1] =	stream.linear.gather [hbm4b:s1+s2], $0x8000, $0x38;
	[tilespmem:$0x1C000] =	vst v63  }
0xfe: {  	_ =	swait.ge [sflag:s10], $0x8000  }
0xff: {  	[sflag:s10] =	ssyncset.done $0x0  }
0x100: {  	[sflag:s10] =	ssyncadd.s32 $0xFFFF8000  }
0x101: {  	[hbm4b:s23+s2] =	stream.linear.scatter [tilespmem:s2], [sflag:$0x3], $0x8000, $0x38;
	[tilespmem:$0x1C000] =	vst v63  }
0x102: {  	s0 =	rddreg [dreg:$0x4]  }
0x103: {  	[hbm4b:s0+s2] =	stream.linear.scatter [tilespmem:s2], [sflag:$0x3], $0x8000, $0x38;
	[tilespmem:$0x1C000] =	vst v63  }
0x104: {  	_ = 	snop  }
0x105: {  	[hbm4b:s29+s2] =	stream.linear.scatter [tilespmem:s2], [sflag:$0x3], $0x8000, $0x38;
	[tilespmem:$0x1C000] =	vst v63  }
0x106: {  	_ = 	snop  }
0x107: {  	[hbm4b:s30+s2] =	stream.linear.scatter [tilespmem:s2], [sflag:$0x3], $0x8000, $0x38;
	[tilespmem:$0x1C000] =	vst v63  }
0x108: {  	_ = 	snop  }
0x109: {  	[tilespmem:s16], [sflag:$0x2] =	stream.linear.gather [hbm4b:s31+s2], $0xE000, $0x38;
	[tilespmem:$0x1C000] =	vst v63  }
0x10a: {  	_ =	swait.ge [sflag:s22], $0xE000  }
0x10b: {  	[sflag:s22] =	ssyncset.done $0x0  }
0x10c: {  	[sflag:s22] =	ssyncadd.s32 $0xFFFF2000  }
0x10d: {  	[hbm4b:s24+s2] =	stream.linear.scatter [tilespmem:s16], [sflag:$0x4], $0xE000, $0x38;
	[tilespmem:$0x1C000] =	vst v63  }
0x10e: {  	_ = 	snop  }
0x10f: {  	[hbm4b:s25+s2] =	stream.linear.scatter [tilespmem:s16], [sflag:$0x4], $0xE000, $0x38;
	[tilespmem:$0x1C000] =	vst v63  }
0x110: {  	_ = 	snop  }
0x111: {  	[hbm4b:s26+s2] =	stream.linear.scatter [tilespmem:s16], [sflag:$0x4], $0xE000, $0x38;
	[tilespmem:$0x1C000] =	vst v63  }
0x112: {  	_ = 	snop  }
0x113: {  	[hbm4b:s28+s2] =	stream.linear.scatter [tilespmem:s16], [sflag:$0x4], $0xE000, $0x38;
	[tilespmem:$0x1C000] =	vst v63  }
0x114: {  	_ =	swait.ge [sflag:s3], $0x8000  }
0x115: {  	[sflag:s3] =	ssyncset.done $0x0  }
0x116: {  	[sflag:s3] =	ssyncadd.s32 $0xFFFF8000  }
0x117: {  	_ =	swait.ge [sflag:s3], $0x8000  }
0x118: {  	[sflag:s3] =	ssyncset.done $0x0  }
0x119: {  	[sflag:s3] =	ssyncadd.s32 $0xFFFF8000  }
0x11a: {  	_ =	swait.ge [sflag:s3], $0x8000  }
0x11b: {  	[sflag:s3] =	ssyncset.done $0x0  }
0x11c: {  	[sflag:s3] =	ssyncadd.s32 $0xFFFF8000  }
0x11d: {  	_ =	swait.ge [sflag:s3], $0x8000  }
0x11e: {  	[sflag:s3] =	ssyncset.done $0x0  }
0x11f: {  	[sflag:s3] =	ssyncadd.s32 $0xFFFF8000  }
0x120: {  	[tilespmem:s2], [sflag:$0x1] =	stream.linear.gather [hbm4b:s21+s2], $0xE000, $0x38;
	[tilespmem:$0x1C000] =	vst v63  }
0x121: {  	_ =	swait.ge [sflag:s10], $0xE000  }
0x122: {  	[sflag:s10] =	ssyncset.done $0x0  }
0x123: {  	[sflag:s10] =	ssyncadd.s32 $0xFFFF2000  }
0x124: {  	[hbm4b:s20+s2] =	stream.linear.scatter [tilespmem:s2], [sflag:$0x3], $0xE000, $0x38;
	[tilespmem:$0x1C000] =	vst v63  }
0x125: {  	_ = 	snop  }
0x126: {  	[hbm4b:s17+s2] =	stream.linear.scatter [tilespmem:s2], [sflag:$0x3], $0xE000, $0x38;
	[tilespmem:$0x1C000] =	vst v63  }
0x127: {  	_ = 	snop  }
0x128: {  	[hbm4b:s18+s2] =	stream.linear.scatter [tilespmem:s2], [sflag:$0x3], $0xE000, $0x38;
	[tilespmem:$0x1C000] =	vst v63  }
0x129: {  	_ = 	snop  }
0x12a: {  	[hbm4b:s19+s2] =	stream.linear.scatter [tilespmem:s2], [sflag:$0x3], $0xE000, $0x38;
	[tilespmem:$0x1C000] =	vst v63  }
0x12b: {  	_ =	swait.ge [sflag:s4], $0xE000  }
0x12c: {  	[sflag:s4] =	ssyncset.done $0x0  }
0x12d: {  	[sflag:s4] =	ssyncadd.s32 $0xFFFF2000  }
0x12e: {  	_ =	swait.ge [sflag:s4], $0xE000  }
0x12f: {  	[sflag:s4] =	ssyncset.done $0x0  }
0x130: {  	[sflag:s4] =	ssyncadd.s32 $0xFFFF2000  }
0x131: {  	_ =	swait.ge [sflag:s4], $0xE000  }
0x132: {  	[sflag:s4] =	ssyncset.done $0x0  }
0x133: {  	[sflag:s4] =	ssyncadd.s32 $0xFFFF2000  }
0x134: {  	_ =	swait.ge [sflag:s4], $0xE000  }
0x135: {  	[sflag:s4] =	ssyncset.done $0x0  }
0x136: {  	[sflag:s4] =	ssyncadd.s32 $0xFFFF2000  }
0x137: {  	[tilespmem:s16], [sflag:$0x2] =	stream.linear.gather [hbm4b:s15+s2], $0xE000, $0x38;
	[tilespmem:$0x1C000] =	vst v63  }
0x138: {  	_ =	swait.ge [sflag:s22], $0xE000  }
0x139: {  	[sflag:s22] =	ssyncset.done $0x0  }
0x13a: {  	[sflag:s22] =	ssyncadd.s32 $0xFFFF2000  }
0x13b: {  	[hbm4b:s14+s2] =	stream.linear.scatter [tilespmem:s16], [sflag:$0x4], $0xE000, $0x38;
	[tilespmem:$0x1C000] =	vst v63  }
0x13c: {  	_ = 	snop  }
0x13d: {  	[hbm4b:s11+s2] =	stream.linear.scatter [tilespmem:s16], [sflag:$0x4], $0xE000, $0x38;
	[tilespmem:$0x1C000] =	vst v63  }
0x13e: {  	_ = 	snop  }
0x13f: {  	[hbm4b:s12+s2] =	stream.linear.scatter [tilespmem:s16], [sflag:$0x4], $0xE000, $0x38;
	[tilespmem:$0x1C000] =	vst v63  }
0x140: {  	_ = 	snop  }
0x141: {  	[hbm4b:s13+s2] =	stream.linear.scatter [tilespmem:s16], [sflag:$0x4], $0xE000, $0x38;
	[tilespmem:$0x1C000] =	vst v63  }
0x142: {  	_ =	swait.ge [sflag:s3], $0xE000  }
0x143: {  	[sflag:s3] =	ssyncset.done $0x0  }
0x144: {  	[sflag:s3] =	ssyncadd.s32 $0xFFFF2000  }
0x145: {  	_ =	swait.ge [sflag:s3], $0xE000  }
0x146: {  	[sflag:s3] =	ssyncset.done $0x0  }
0x147: {  	[sflag:s3] =	ssyncadd.s32 $0xFFFF2000  }
0x148: {  	_ =	swait.ge [sflag:s3], $0xE000  }
0x149: {  	[sflag:s3] =	ssyncset.done $0x0  }
0x14a: {  	[sflag:s3] =	ssyncadd.s32 $0xFFFF2000  }
0x14b: {  	_ =	swait.ge [sflag:s3], $0xE000  }
0x14c: {  	[sflag:s3] =	ssyncset.done $0x0  }
0x14d: {  	[sflag:s3] =	ssyncadd.s32 $0xFFFF2000  }
0x14e: {  	[tilespmem:s2], [sflag:$0x1] =	stream.linear.gather [hbm4b:s8+s2], $0xE000, $0x38;
	[tilespmem:$0x1C000] =	vst v63  }
0x14f: {  	_ =	swait.ge [sflag:s10], $0xE000  }
0x150: {  	[sflag:s10] =	ssyncset.done $0x0  }
0x151: {  	[sflag:s10] =	ssyncadd.s32 $0xFFFF2000  }
0x152: {  	[hbm4b:s5+s2] =	stream.linear.scatter [tilespmem:s2], [sflag:$0x3], $0xE000, $0x38;
	[tilespmem:$0x1C000] =	vst v63  }
0x153: {  	_ = 	snop  }
0x154: {  	[hbm4b:s6+s2] =	stream.linear.scatter [tilespmem:s2], [sflag:$0x3], $0xE000, $0x38;
	[tilespmem:$0x1C000] =	vst v63  }
0x155: {  	_ = 	snop  }
0x156: {  	[hbm4b:s7+s2] =	stream.linear.scatter [tilespmem:s2], [sflag:$0x3], $0xE000, $0x38;
	[tilespmem:$0x1C000] =	vst v63  }
0x157: {  	_ = 	snop  }
0x158: {  	[hbm4b:s9+s2] =	stream.linear.scatter [tilespmem:s2], [sflag:$0x3], $0xE000, $0x38;
	[tilespmem:$0x1C000] =	vst v63  }
0x159: {  	_ =	swait.ge [sflag:s4], $0xE000  }
0x15a: {  	[sflag:s4] =	ssyncset.done $0x0  }
0x15b: {  	[sflag:s4] =	ssyncadd.s32 $0xFFFF2000  }
0x15c: {  	_ =	swait.ge [sflag:s4], $0xE000  }
0x15d: {  	[sflag:s4] =	ssyncset.done $0x0  }
0x15e: {  	[sflag:s4] =	ssyncadd.s32 $0xFFFF2000  }
0x15f: {  	_ =	swait.ge [sflag:s4], $0xE000  }
0x160: {  	[sflag:s4] =	ssyncset.done $0x0  }
0x161: {  	[sflag:s4] =	ssyncadd.s32 $0xFFFF2000  }
0x162: {  	_ =	swait.ge [sflag:s4], $0xE000  }
0x163: {  	[sflag:s4] =	ssyncset.done $0x0  }
0x164: {  	[sflag:s4] =	ssyncadd.s32 $0xFFFF2000  }
0x165: {  	_ =	swait.ge [sflag:s3], $0xE000  }
0x166: {  	[sflag:s3] =	ssyncset.done $0x0  }
0x167: {  	[sflag:s3] =	ssyncadd.s32 $0xFFFF2000  }
0x168: {  	_ =	swait.ge [sflag:s3], $0xE000  }
0x169: {  	[sflag:s3] =	ssyncset.done $0x0  }
0x16a: {  	[sflag:s3] =	ssyncadd.s32 $0xFFFF2000  }
0x16b: {  	_ =	swait.ge [sflag:s3], $0xE000  }
0x16c: {  	[sflag:s3] =	ssyncset.done $0x0  }
0x16d: {  	[sflag:s3] =	ssyncadd.s32 $0xFFFF2000  }
0x16e: {  	_ =	swait.ge [sflag:s3], $0xE000  }
0x16f: {  	[sflag:s3] =	ssyncset.done $0x0  }
0x170: {  	[sflag:s3] =	ssyncadd.s32 $0xFFFF2000  }
0x171: {  	_ =	sfence.sel $0x180000  }
0x172: {  	[bflag:$0x0] =	sbarrier.arrive $0xFFFF  }
0x173: {  	_ =	strace $0x90000047  }
0x174: {  	s31 =	stileid.u32;
	[bflag:$0x2] =	sbarrier.arrive $0xFFFF  }
0x175: {  	p0 =	sne.s32 s31, $0x0;
	s0 =	rddreg [dreg:$0x2]  }
0x176: {  	s0 =	sadd.s32 @!p0 $0x100000, s0  }
0x177: {  	[sflag:s0] =	ssyncadd.tile.s32 @!p0 $0x1;
	_ =	shalt  }
.Lfunc_end2:
_tile_overlayer_lowered:
.L_overlay_start_2:
0x178: {  	(tag) =	ssettag $0x2  }
0x179: {  	s0 =	rddreg [dreg:$0x0];
	s2 =	stileid.u32  }
0x17a: {  	s1 =	rddreg [dreg:$0x1];
	p0 =	sne.s32 s2, $0x0  }
0x17b: {  	s3 =	rddreg [dreg:$0x2];
	[bflag:$0x3] =	sbarrier.arrive $0xFFFF;
	s2 =	simm.s32 @!p0 $0x1C05  }
0x17c: {  	[timem:s3], [sflag:s2] =	dma.local @!p0 [hbm:s0], s1  }
0x17d: {  	s0 =	simm.s32 @!p0 $0x5  }
0x17e: {  	_ =	swait.ge @!p0 [sflag:s0], s1  }
0x17f: {  	s1 =	ssub.s32 @!p0 $0x0, s1;
	[sflag:s0] =	ssyncset.done @!p0 $0x0  }
0x180: {  	[sflag:s0] =	ssyncadd.s32 @!p0 s1  }
0x181: {  	[bflag:$0x3] =	sbarrier.arrive $0xFFFF  }
0x182: {  	_ =	shalt  }

</sc_bundles>
